<compile_context>
chip_gen: v7x
topology: tpu7x:2x2x1
jax: 0.10.2.dev20260603
libtpu: 0.0.44.dev20260713+nightly
codegen_flags: <defaults>
</compile_context>

<pallas_src>
import functools
import math

import jax
import jax.numpy as jnp
from jax import lax
from jax.experimental import pallas as pl
from jax.experimental.pallas import tpu as pltpu
from jax.experimental.pallas import tpu_sc as plsc

_SCORE_T = 0.3
_NMS_T = 0.3
_DET = 320
_IMG = 800.0
_MINSZ = 0.01
_CLIP = math.log(1000.0 / 16.0)
_N = 5000
_NPAD = 5120
_M = 10000
_B = 256
_NB = 40


def _decode_kernel(lg_ref, br_ref, p_ref, x1_ref, y1_ref, x2_ref, y2_ref,
                   sc_ref, val_ref):
    p = p_ref[:, :]
    w = p[2:3] - p[0:1]
    h = p[3:4] - p[1:2]
    cx = p[0:1] + 0.5 * w
    cy = p[1:2] + 0.5 * h
    lg = lg_ref[:, :]
    mx = jnp.max(lg, axis=0, keepdims=True)
    e = jnp.exp(lg - mx)
    probs = e / jnp.sum(e, axis=0, keepdims=True)
    br = br_ref[:, :]
    col = jax.lax.broadcasted_iota(jnp.int32, (1, _NPAD), 1)
    in_range = col < _N
    for c in (1, 2):
        dx = br[4 * c:4 * c + 1] * (1.0 / 10.0)
        dy = br[4 * c + 1:4 * c + 2] * (1.0 / 10.0)
        dw = jnp.minimum(br[4 * c + 2:4 * c + 3] * (1.0 / 5.0), _CLIP)
        dh = jnp.minimum(br[4 * c + 3:4 * c + 4] * (1.0 / 5.0), _CLIP)
        pcx = dx * w + cx
        pcy = dy * h + cy
        pw = jnp.exp(dw) * w
        ph = jnp.exp(dh) * h
        x1 = jnp.clip(pcx - 0.5 * pw, 0.0, _IMG)
        y1 = jnp.clip(pcy - 0.5 * ph, 0.0, _IMG)
        x2 = jnp.clip(pcx + 0.5 * pw, 0.0, _IMG)
        y2 = jnp.clip(pcy + 0.5 * ph, 0.0, _IMG)
        sc = probs[c:c + 1]
        valid = ((sc > _SCORE_T) & (x2 - x1 >= _MINSZ) & (y2 - y1 >= _MINSZ)
                 & in_range)
        r = c - 1
        x1_ref[r:r + 1, :] = x1
        y1_ref[r:r + 1, :] = y1
        x2_ref[r:r + 1, :] = x2
        y2_ref[r:r + 1, :] = y2
        sc_ref[r:r + 1, :] = sc
        val_ref[r:r + 1, :] = jnp.where(valid, 1.0, 0.0)


def _nms_kernel(x1_ref, y1_ref, x2_ref, y2_ref, lbl_ref, val_ref, keep_ref,
                sx1, sy1, sx2, sy2, sar, smask):
    off = lbl_ref[:, :] * (_IMG + 1.0)
    x1 = x1_ref[:, :]
    y1 = y1_ref[:, :]
    x2 = x2_ref[:, :]
    y2 = y2_ref[:, :]
    sx1[:, :] = x1 + off
    sy1[:, :] = y1 + off
    sx2[:, :] = x2 + off
    sy2[:, :] = y2 + off
    sar[:, :] = (x2 - x1) * (y2 - y1)
    val = val_ref[:, :]
    keep_ref[:, :] = val
    nvalid = jnp.sum(val).astype(jnp.int32)
    nbv = jnp.minimum((nvalid + _B - 1) // _B, _NB)

    rowi = jax.lax.broadcasted_iota(jnp.int32, (_B, _B), 0)
    colj = jax.lax.broadcasted_iota(jnp.int32, (_B, _B), 1)

    def blk(bi, carry):
        ax1 = sx1[pl.ds(bi, 1), :]
        ay1 = sy1[pl.ds(bi, 1), :]
        ax2 = sx2[pl.ds(bi, 1), :]
        ay2 = sy2[pl.ds(bi, 1), :]
        aar = sar[pl.ds(bi, 1), :]
        cx1 = ax1.reshape(_B, 1)
        cy1 = ay1.reshape(_B, 1)
        cx2 = ax2.reshape(_B, 1)
        cy2 = ay2.reshape(_B, 1)
        car = aar.reshape(_B, 1)
        xx1 = jnp.maximum(cx1, ax1)
        yy1 = jnp.maximum(cy1, ay1)
        xx2 = jnp.minimum(cx2, ax2)
        yy2 = jnp.minimum(cy2, ay2)
        inter = jnp.maximum(xx2 - xx1, 0.0) * jnp.maximum(yy2 - yy1, 0.0)
        iou = inter / (car + aar - inter + 1e-9)
        smask[:, :] = jnp.where((iou > _NMS_T) & (colj > rowi), 1.0, 0.0)

        und0 = keep_ref[pl.ds(bi, 1), :]

        def fcond(state):
            _, und = state
            return jnp.sum(und) > 0.0

        def fbody(state):
            kept, und = state
            m = smask[:, :]
            alive_col = (kept + und).reshape(_B, 1)
            threat_alive = jnp.max(m * alive_col, axis=0, keepdims=True)
            new_kept = und * (1.0 - threat_alive)
            kept2 = kept + new_kept
            threat_kept = jnp.max(m * kept2.reshape(_B, 1), axis=0,
                                  keepdims=True)
            und2 = und * (1.0 - new_kept) * (1.0 - threat_kept)
            return kept2, und2

        kvf, _ = jax.lax.while_loop(fcond, fbody,
                                    (jnp.zeros_like(und0), und0))
        keep_ref[pl.ds(bi, 1), :] = kvf
        kcol = kvf.reshape(_B, 1)

        def cross(bj, c2):
            bx1 = sx1[pl.ds(bj, 1), :]
            by1 = sy1[pl.ds(bj, 1), :]
            bx2 = sx2[pl.ds(bj, 1), :]
            by2 = sy2[pl.ds(bj, 1), :]
            bar = sar[pl.ds(bj, 1), :]
            u1 = jnp.maximum(cx1, bx1)
            v1 = jnp.maximum(cy1, by1)
            u2 = jnp.minimum(cx2, bx2)
            v2 = jnp.minimum(cy2, by2)
            it = jnp.maximum(u2 - u1, 0.0) * jnp.maximum(v2 - v1, 0.0)
            io = it / (car + bar - it + 1e-9)
            hit = jnp.where(io > _NMS_T, kcol, 0.0)
            anyhit = jnp.max(hit, axis=0, keepdims=True)
            keep_ref[pl.ds(bj, 1), :] = keep_ref[pl.ds(bj, 1), :] * (1.0 - anyhit)
            return c2

        jax.lax.fori_loop(bi + 1, nbv, cross, 0)
        return carry

    jax.lax.fori_loop(0, nbv, blk, 0)


_MT = _NB * _B
_TBL_C = 7
_NC = 2
_NS = 16
_NW = _NC * _NS
_GT = _TBL_C * _MT
_BPW = _GT // _NW


@functools.partial(
    pl.kernel,
    mesh=plsc.VectorSubcoreMesh(core_axis_name="c", subcore_axis_name="s"),
    out_type=jax.ShapeDtypeStruct((_GT,), jnp.float32),
    scratch_types=[
        pltpu.VMEM((_BPW,), jnp.int32),
        pltpu.VMEM((_BPW,), jnp.float32),
        pltpu.SemaphoreType.DMA,
    ],
)
def _sc_gather(tbl_hbm, idx_hbm, out_hbm, idx_v, rows_v, sem):
    wid = lax.axis_index("s") * _NC + lax.axis_index("c")
    base = wid * _BPW
    pltpu.sync_copy(idx_hbm.at[pl.ds(base, _BPW)], idx_v)
    pltpu.async_copy(tbl_hbm.at[idx_v], rows_v, sem).wait()
    pltpu.sync_copy(rows_v, out_hbm.at[pl.ds(base, _BPW)])


def kernel(class_logits, box_regression, proposals):
    padn = _NPAD - _N
    lgT = jnp.pad(class_logits.T, ((0, 0), (0, padn)))
    brT = jnp.pad(box_regression.T, ((0, 0), (0, padn)))
    pT = jnp.pad(proposals.T, ((0, 0), (0, padn)))

    shp = jax.ShapeDtypeStruct((2, _NPAD), jnp.float32)
    x1, y1, x2, y2, sc, val = pl.pallas_call(
        _decode_kernel,
        out_shape=(shp, shp, shp, shp, shp, shp),
        interpret=False,
    )(lgT, brT, pT)

    def flat(a):
        return a[:, :_N].T.reshape(-1)

    fx1, fy1, fx2, fy2 = flat(x1), flat(y1), flat(x2), flat(y2)
    fsc, fval = flat(sc), flat(val) > 0.5
    labels = (jnp.arange(_M, dtype=jnp.int32) % 2) + 1

    sort_scores = jnp.where(fval, fsc, -1.0)
    order = jnp.argsort(-sort_scores)

    def padm(a):
        return jnp.pad(a, ((0, _MT - _M),))

    tbl = jnp.concatenate([padm(fx1), padm(fy1), padm(fx2), padm(fy2),
                           padm(fsc), padm(jnp.where(fval, 1.0, 0.0)),
                           padm(labels.astype(jnp.float32))])
    idx1 = jnp.pad(order.astype(jnp.int32), ((0, _MT - _M),),
                   constant_values=_M)
    idx = (idx1[None, :]
           + (jnp.arange(_TBL_C, dtype=jnp.int32) * _MT)[:, None]).reshape(-1)
    st = _sc_gather(tbl, idx).reshape(_TBL_C, _MT)

    X1 = st[0].reshape(_NB, _B)
    Y1 = st[1].reshape(_NB, _B)
    X2 = st[2].reshape(_NB, _B)
    Y2 = st[3].reshape(_NB, _B)
    VAL = st[5].reshape(_NB, _B)
    LBL = st[6].reshape(_NB, _B)
    sc_s = st[4, :_M]
    lab_s = st[6, :_M].astype(jnp.int32)

    keep2 = pl.pallas_call(
        _nms_kernel,
        out_shape=jax.ShapeDtypeStruct((_NB, _B), jnp.float32),
        scratch_shapes=[
            pltpu.VMEM((_NB, _B), jnp.float32),
            pltpu.VMEM((_NB, _B), jnp.float32),
            pltpu.VMEM((_NB, _B), jnp.float32),
            pltpu.VMEM((_NB, _B), jnp.float32),
            pltpu.VMEM((_NB, _B), jnp.float32),
            pltpu.VMEM((_B, _B), jnp.float32),
        ],
        interpret=False,
    )(X1, Y1, X2, Y2, LBL, VAL)
    keep = keep2.reshape(-1)[:_M] > 0.5

    rank_key = jnp.where(keep,
                         jnp.where(lab_s == 2, 10.0, 0.0) + sc_s,
                         -1e9)
    _, top_idx = jax.lax.top_k(rank_key, _DET)
    fvalid = keep[top_idx]
    boxes_s = st[:4, :_M].T
    out_boxes = jnp.where(fvalid[:, None], boxes_s[top_idx], 0.0)
    out_scores = jnp.where(fvalid, sc_s[top_idx], 0.0)
    out_labels = jnp.where(fvalid, lab_s[top_idx], 0).astype(jnp.int32)
    return out_boxes, out_scores, out_labels

# --- scband reference (transcript-rebuilt; emitter-appended) ---
"""Pipeline reference for scband-region-detection-rcnn-43456479101591 (READ-ONLY COPY).

The authoritative reference and input builder live on the scoring server;
editing this copy changes nothing except your own understanding.
"""

import math
import jax, jax.numpy as jnp
import numpy as np

SCORE_THRESH = 0.3
NMS_THRESH = 0.3
DET_PER_IMG = 320
IMG = 800.0
MIN_SIZE = 0.01
WX, WY, WW, WH = 10.0, 10.0, 5.0, 5.0
BBOX_XFORM_CLIP = math.log(1000.0 / 16.0)
N_PROPOSALS = 5000
NUM_CLASSES = 3


def setup_inputs(seed: int = 0) -> dict:
    key = jax.random.key(seed)
    k1, k2, k3, k4, k5, k6 = jax.random.split(key, 6)
    N = N_PROPOSALS
    class_logits = jax.random.normal(k1, (N, NUM_CLASSES), dtype=jnp.float32) * 2.0
    box_regression = jax.random.normal(k2, (N, NUM_CLASSES * 4), dtype=jnp.float32) * 0.5
    x1 = jax.random.uniform(k3, (N,), minval=0.0, maxval=700.0)
    y1 = jax.random.uniform(k4, (N,), minval=0.0, maxval=700.0)
    w = jax.random.uniform(k5, (N,), minval=8.0, maxval=100.0)
    h = jax.random.uniform(k6, (N,), minval=8.0, maxval=100.0)
    proposals = jnp.stack([x1, y1, x1 + w, y1 + h], axis=1).astype(jnp.float32)
    return {"class_logits": class_logits, "box_regression": box_regression, "proposals": proposals}


def _decode(deltas, proposals):
    # torchvision BoxCoder.decode with weights (10,10,5,5)
    widths = proposals[:, 2] - proposals[:, 0]
    heights = proposals[:, 3] - proposals[:, 1]
    ctr_x = proposals[:, 0] + 0.5 * widths
    ctr_y = proposals[:, 1] + 0.5 * heights
    d = deltas.reshape(deltas.shape[0], -1, 4)
    dx = d[..., 0] / WX
    dy = d[..., 1] / WY
    dw = jnp.minimum(d[..., 2] / WW, BBOX_XFORM_CLIP)
    dh = jnp.minimum(d[..., 3] / WH, BBOX_XFORM_CLIP)
    pcx = dx * widths[:, None] + ctr_x[:, None]
    pcy = dy * heights[:, None] + ctr_y[:, None]
    pw = jnp.exp(dw) * widths[:, None]
    ph = jnp.exp(dh) * heights[:, None]
    return jnp.stack([pcx - 0.5 * pw, pcy - 0.5 * ph, pcx + 0.5 * pw, pcy + 0.5 * ph], axis=-1)


def _nms_keep(boxes, valid, nms_thresh):
    # greedy NMS on score-sorted boxes (boxes already sorted desc by score)
    M = boxes.shape[0]
    areas = (boxes[:, 2] - boxes[:, 0]) * (boxes[:, 3] - boxes[:, 1])
    idxs = jnp.arange(M)

    def body(i, keep):
        b = boxes[i]
        xx1 = jnp.maximum(b[0], boxes[:, 0])
        yy1 = jnp.maximum(b[1], boxes[:, 1])
        xx2 = jnp.minimum(b[2], boxes[:, 2])
        yy2 = jnp.minimum(b[3], boxes[:, 3])
        inter = jnp.maximum(xx2 - xx1, 0.0) * jnp.maximum(yy2 - yy1, 0.0)
        iou = inter / (areas[i] + areas - inter + 1e-9)
        suppress = (iou > nms_thresh) & (idxs > i) & keep[i]
        return keep & (~suppress)

    return jax.lax.fori_loop(0, M, body, valid)


def reference(class_logits, box_regression, proposals):
    N, C = class_logits.shape
    pred_boxes = _decode(box_regression, proposals)  # [N, C, 4]
    scores = jax.nn.softmax(class_logits, axis=-1)
    # clip boxes to image
    x = jnp.clip(pred_boxes[..., 0::2], 0.0, IMG)
    y = jnp.clip(pred_boxes[..., 1::2], 0.0, IMG)
    pb = jnp.stack([x[..., 0], y[..., 0], x[..., 1], y[..., 1]], axis=-1)
    # drop background class 0
    boxes = pb[:, 1:, :].reshape(-1, 4)
    sc = scores[:, 1:].reshape(-1)
    labels = jnp.broadcast_to(jnp.arange(C)[None, 1:], (N, C - 1)).reshape(-1)
    w = boxes[:, 2] - boxes[:, 0]
    h = boxes[:, 3] - boxes[:, 1]
    valid = (sc > SCORE_THRESH) & (w >= MIN_SIZE) & (h >= MIN_SIZE)
    sort_scores = jnp.where(valid, sc, -1.0)
    order = jnp.argsort(-sort_scores)
    boxes_s = boxes[order]
    sc_s = sc[order]
    lab_s = labels[order]
    valid_s = valid[order]
    # batched NMS via per-class coordinate offset
    offset_boxes = boxes_s + (lab_s.astype(boxes.dtype) * (IMG + 1.0))[:, None]
    keep = _nms_keep(jax.lax.stop_gradient(offset_boxes), valid_s, NMS_THRESH)
    # reorder: label==2 first (score-sorted within group), then others; cap at 320
    rank_key = jnp.where(keep, jnp.where(lab_s == 2, 10.0, 0.0) + sc_s, -1e9)
    _, top_idx = jax.lax.top_k(rank_key, DET_PER_IMG)
    fvalid = keep[top_idx]
    out_boxes = jnp.where(fvalid[:, None], boxes_s[top_idx], 0.0)
    out_scores = jnp.where(fvalid, sc_s[top_idx], 0.0)
    out_labels = jnp.where(fvalid, lab_s[top_idx], 0).astype(jnp.int32)
    return out_boxes, out_scores, out_labels

if __name__ == "__main__":
    import jax
    _d = setup_inputs()
    print(jax.jit(kernel)(*tuple(_d.values())))

</pallas_src>

<mosaic_0001>
#map = affine_map<(d0, d1) -> (0)>
module attributes {stable_mosaic.version = 14 : i64} {
  func.func @_sc_gather(%arg0: i32, %arg1: i32, %arg2: memref<71680xf32, #tpu.memory_space<hbm>>, %arg3: memref<71680xi32, #tpu.memory_space<hbm>>, %arg4: memref<71680xf32, #tpu.memory_space<hbm>>, %arg5: memref<2240xi32, #tpu.memory_space<vmem>>, %arg6: memref<2240xf32, #tpu.memory_space<vmem>>, %arg7: memref<!tpu.dma_semaphore, #tpu.memory_space<semaphore_mem>>) attributes {dimension_semantics = [#tpu.dimension_semantics<core_parallel>, #tpu.dimension_semantics<subcore_parallel>], iteration_bounds = array<i64: 2, 16>, scalar_prefetch = 0 : i64, scratch_operands = 3 : i64, tpu.core_type = #tpu.core_type<sc_vector_subcore>, window_params = [{transform_indices = #map}, {transform_indices = #map}, {transform_indices = #map}]} {
    %mul3A = arith.constant 2 : i32
    %mul3A_0 = arith.muli %arg1, %mul3A : i32
    %add3A = arith.addi %mul3A_0, %arg0 : i32
    %mul3A_1 = arith.constant 2240 : i32
    %mul3A_2 = arith.muli %add3A, %mul3A_1 : i32
    "tpu.region"() ({
      %run_scoped3A = tpu.sem_alloc : memref<!tpu.dma_semaphore, #tpu.memory_space<semaphore_mem>>
      %dma_start3A_5 = tpu.memref_slice %arg3[%mul3A_2] : memref<71680xi32, #tpu.memory_space<hbm>> -> memref<2240xi32, #tpu.memory_space<hbm>>
      %dma_start3A_6 = tpu.memref_slice %arg3[%mul3A_2] : memref<71680xi32, #tpu.memory_space<hbm>> -> memref<2240xi32, #tpu.memory_space<hbm>>
      tpu.enqueue_dma source(%dma_start3A_6 : memref<2240xi32, #tpu.memory_space<hbm>>) target(%arg5 : memref<2240xi32, #tpu.memory_space<vmem>>) target_semaphore(%run_scoped3A : memref<!tpu.dma_semaphore, #tpu.memory_space<semaphore_mem>>)
      %dma_wait3A_7 = tpu.memref_slice %arg3[%mul3A_2] : memref<71680xi32, #tpu.memory_space<hbm>> -> memref<2240xi32, #tpu.memory_space<hbm>>
      %dma_wait3A_8 = tpu.memref_slice %arg3[%mul3A_2] : memref<71680xi32, #tpu.memory_space<hbm>> -> memref<2240xi32, #tpu.memory_space<hbm>>
      tpu.wait_dma2 semaphore(%run_scoped3A : memref<!tpu.dma_semaphore, #tpu.memory_space<semaphore_mem>>) src(%dma_wait3A_8 : memref<2240xi32, #tpu.memory_space<hbm>>) dst(%arg5 : memref<2240xi32, #tpu.memory_space<vmem>>)
      tpu.yield
    }) : () -> ()
    %dma_start3A = arith.constant 0 : i32
    %dma_start3A_3 = tpu.memref_slice %arg2[%dma_start3A] : memref<71680xf32, #tpu.memory_space<hbm>> -> memref<71680xf32, #tpu.memory_space<hbm>>
    tpu.enqueue_indirect_dma source(%dma_start3A_3 : memref<71680xf32, #tpu.memory_space<hbm>>) target(%arg6 : memref<2240xf32, #tpu.memory_space<vmem>>) offsets(%arg5 : memref<2240xi32, #tpu.memory_space<vmem>>) semaphore(%arg7 : memref<!tpu.dma_semaphore, #tpu.memory_space<semaphore_mem>>)
    %dma_wait3A = arith.constant 0 : i32
    %dma_wait3A_4 = tpu.memref_slice %arg2[%dma_wait3A] : memref<71680xf32, #tpu.memory_space<hbm>> -> memref<71680xf32, #tpu.memory_space<hbm>>
    tpu.wait_indirect_dma semaphore(%arg7 : memref<!tpu.dma_semaphore, #tpu.memory_space<semaphore_mem>>) src(%dma_wait3A_4 : memref<71680xf32, #tpu.memory_space<hbm>>) dst(%arg6 : memref<2240xf32, #tpu.memory_space<vmem>>)
    "tpu.region"() ({
      %run_scoped3A = tpu.sem_alloc : memref<!tpu.dma_semaphore, #tpu.memory_space<semaphore_mem>>
      %dma_start3A_5 = tpu.memref_slice %arg4[%mul3A_2] : memref<71680xf32, #tpu.memory_space<hbm>> -> memref<2240xf32, #tpu.memory_space<hbm>>
      %dma_start3A_6 = tpu.memref_slice %arg4[%mul3A_2] : memref<71680xf32, #tpu.memory_space<hbm>> -> memref<2240xf32, #tpu.memory_space<hbm>>
      tpu.enqueue_dma source(%arg6 : memref<2240xf32, #tpu.memory_space<vmem>>) target(%dma_start3A_6 : memref<2240xf32, #tpu.memory_space<hbm>>) target_semaphore(%run_scoped3A : memref<!tpu.dma_semaphore, #tpu.memory_space<semaphore_mem>>)
      %dma_wait3A_7 = tpu.memref_slice %arg4[%mul3A_2] : memref<71680xf32, #tpu.memory_space<hbm>> -> memref<2240xf32, #tpu.memory_space<hbm>>
      %dma_wait3A_8 = tpu.memref_slice %arg4[%mul3A_2] : memref<71680xf32, #tpu.memory_space<hbm>> -> memref<2240xf32, #tpu.memory_space<hbm>>
      tpu.wait_dma2 semaphore(%run_scoped3A : memref<!tpu.dma_semaphore, #tpu.memory_space<semaphore_mem>>) src(%arg6 : memref<2240xf32, #tpu.memory_space<vmem>>) dst(%dma_wait3A_8 : memref<2240xf32, #tpu.memory_space<hbm>>)
      tpu.yield
    }) : () -> ()
    return
  }
}

module attributes {stable_mosaic.version = 14 : i64} {
  func.func @_decode_kernel(%arg0: memref<3x5120xf32, #tpu.memory_space<vmem>>, %arg1: memref<12x5120xf32, #tpu.memory_space<vmem>>, %arg2: memref<4x5120xf32, #tpu.memory_space<vmem>>, %arg3: memref<2x5120xf32, #tpu.memory_space<vmem>>, %arg4: memref<2x5120xf32, #tpu.memory_space<vmem>>, %arg5: memref<2x5120xf32, #tpu.memory_space<vmem>>, %arg6: memref<2x5120xf32, #tpu.memory_space<vmem>>, %arg7: memref<2x5120xf32, #tpu.memory_space<vmem>>, %arg8: memref<2x5120xf32, #tpu.memory_space<vmem>>) attributes {dimension_semantics = [], scalar_prefetch = 0 : i64, scratch_operands = 0 : i64, tpu.core_type = #tpu.core_type<tc>} {
    %get3A = arith.constant 0 : index
    %get3A_0 = arith.constant 0 : index
    %get3A_1 = vector.load %arg2[%get3A, %get3A_0] : memref<4x5120xf32, #tpu.memory_space<vmem>>, vector<4x5120xf32>
    %slice3A = vector.extract_strided_slice %get3A_1 {offsets = [2, 0], sizes = [1, 5120], strides = [1, 1]} : vector<4x5120xf32> to vector<1x5120xf32>
    %slice3A_2 = vector.extract_strided_slice %get3A_1 {offsets = [0, 0], sizes = [1, 5120], strides = [1, 1]} : vector<4x5120xf32> to vector<1x5120xf32>
    %sub3A = arith.subf %slice3A, %slice3A_2 : vector<1x5120xf32>
    %slice3A_3 = vector.extract_strided_slice %get3A_1 {offsets = [3, 0], sizes = [1, 5120], strides = [1, 1]} : vector<4x5120xf32> to vector<1x5120xf32>
    %slice3A_4 = vector.extract_strided_slice %get3A_1 {offsets = [1, 0], sizes = [1, 5120], strides = [1, 1]} : vector<4x5120xf32> to vector<1x5120xf32>
    %sub3A_5 = arith.subf %slice3A_3, %slice3A_4 : vector<1x5120xf32>
    %slice3A_6 = vector.extract_strided_slice %get3A_1 {offsets = [0, 0], sizes = [1, 5120], strides = [1, 1]} : vector<4x5120xf32> to vector<1x5120xf32>
    %mul3A = arith.constant 5.000000e-01 : f32
    %mul3A_7 = vector.broadcast %mul3A : f32 to vector<1x5120xf32>
    %mul3A_8 = arith.mulf %mul3A_7, %sub3A : vector<1x5120xf32>
    %add3A = arith.addf %slice3A_6, %mul3A_8 : vector<1x5120xf32>
    %slice3A_9 = vector.extract_strided_slice %get3A_1 {offsets = [1, 0], sizes = [1, 5120], strides = [1, 1]} : vector<4x5120xf32> to vector<1x5120xf32>
    %mul3A_10 = arith.constant 5.000000e-01 : f32
    %mul3A_11 = vector.broadcast %mul3A_10 : f32 to vector<1x5120xf32>
    %mul3A_12 = arith.mulf %mul3A_11, %sub3A_5 : vector<1x5120xf32>
    %add3A_13 = arith.addf %slice3A_9, %mul3A_12 : vector<1x5120xf32>
    %get3A_14 = arith.constant 0 : index
    %get3A_15 = arith.constant 0 : index
    %get3A_16 = vector.load %arg0[%get3A_14, %get3A_15] : memref<3x5120xf32, #tpu.memory_space<vmem>>, vector<3x5120xf32>
    %reduce_max3A = arith.constant dense<0xFF800000> : vector<5120xf32>
    %reduce_max3A_17 = vector.multi_reduction <maximumf>, %get3A_16, %reduce_max3A [0] : vector<3x5120xf32> to vector<5120xf32>
    %broadcast_in_dim3A = vector.shape_cast %reduce_max3A_17 : vector<5120xf32> to vector<1x5120xf32>
    %sub3A_18 = vector.broadcast %broadcast_in_dim3A : vector<1x5120xf32> to vector<3x5120xf32>
    %sub3A_19 = arith.subf %get3A_16, %sub3A_18 : vector<3x5120xf32>
    %exp3A = math.exp %sub3A_19 : vector<3x5120xf32>
    %reduce_sum3A = arith.constant dense<0.000000e+00> : vector<5120xf32>
    %reduce_sum3A_20 = vector.multi_reduction <add>, %exp3A, %reduce_sum3A [0] : vector<3x5120xf32> to vector<5120xf32>
    %broadcast_in_dim3A_21 = vector.shape_cast %reduce_sum3A_20 : vector<5120xf32> to vector<1x5120xf32>
    %div3A = vector.broadcast %broadcast_in_dim3A_21 : vector<1x5120xf32> to vector<3x5120xf32>
    %div3A_22 = arith.divf %exp3A, %div3A : vector<3x5120xf32>
    %get3A_23 = arith.constant 0 : index
    %get3A_24 = arith.constant 0 : index
    %get3A_25 = vector.load %arg1[%get3A_23, %get3A_24] : memref<12x5120xf32, #tpu.memory_space<vmem>>, vector<12x5120xf32>
    %iota3A = tpu.iota {dimensions = array<i32: 1>} : vector<1x5120xi32>
    %lt3A = arith.constant 5000 : i32
    %lt3A_26 = vector.broadcast %lt3A : i32 to vector<1x5120xi32>
    %lt3A_27 = arith.cmpi slt, %iota3A, %lt3A_26 : vector<1x5120xi32>
    %slice3A_28 = vector.extract_strided_slice %get3A_25 {offsets = [4, 0], sizes = [1, 5120], strides = [1, 1]} : vector<12x5120xf32> to vector<1x5120xf32>
    %mul3A_29 = arith.constant 1.000000e-01 : f32
    %mul3A_30 = vector.broadcast %mul3A_29 : f32 to vector<1x5120xf32>
    %mul3A_31 = arith.mulf %slice3A_28, %mul3A_30 : vector<1x5120xf32>
    %slice3A_32 = vector.extract_strided_slice %get3A_25 {offsets = [5, 0], sizes = [1, 5120], strides = [1, 1]} : vector<12x5120xf32> to vector<1x5120xf32>
    %mul3A_33 = arith.constant 1.000000e-01 : f32
    %mul3A_34 = vector.broadcast %mul3A_33 : f32 to vector<1x5120xf32>
    %mul3A_35 = arith.mulf %slice3A_32, %mul3A_34 : vector<1x5120xf32>
    %slice3A_36 = vector.extract_strided_slice %get3A_25 {offsets = [6, 0], sizes = [1, 5120], strides = [1, 1]} : vector<12x5120xf32> to vector<1x5120xf32>
    %mul3A_37 = arith.constant 2.000000e-01 : f32
    %mul3A_38 = vector.broadcast %mul3A_37 : f32 to vector<1x5120xf32>
    %mul3A_39 = arith.mulf %slice3A_36, %mul3A_38 : vector<1x5120xf32>
    %min3A = arith.constant 4.13516665 : f32
    %min3A_40 = vector.broadcast %min3A : f32 to vector<1x5120xf32>
    %min3A_41 = arith.minimumf %mul3A_39, %min3A_40 : vector<1x5120xf32>
    %slice3A_42 = vector.extract_strided_slice %get3A_25 {offsets = [7, 0], sizes = [1, 5120], strides = [1, 1]} : vector<12x5120xf32> to vector<1x5120xf32>
    %mul3A_43 = arith.constant 2.000000e-01 : f32
    %mul3A_44 = vector.broadcast %mul3A_43 : f32 to vector<1x5120xf32>
    %mul3A_45 = arith.mulf %slice3A_42, %mul3A_44 : vector<1x5120xf32>
    %min3A_46 = arith.constant 4.13516665 : f32
    %min3A_47 = vector.broadcast %min3A_46 : f32 to vector<1x5120xf32>
    %min3A_48 = arith.minimumf %mul3A_45, %min3A_47 : vector<1x5120xf32>
    %mul3A_49 = arith.mulf %mul3A_31, %sub3A : vector<1x5120xf32>
    %add3A_50 = arith.addf %mul3A_49, %add3A : vector<1x5120xf32>
    %mul3A_51 = arith.mulf %mul3A_35, %sub3A_5 : vector<1x5120xf32>
    %add3A_52 = arith.addf %mul3A_51, %add3A_13 : vector<1x5120xf32>
    %exp3A_53 = math.exp %min3A_41 : vector<1x5120xf32>
    %mul3A_54 = arith.mulf %exp3A_53, %sub3A : vector<1x5120xf32>
    %exp3A_55 = math.exp %min3A_48 : vector<1x5120xf32>
    %mul3A_56 = arith.mulf %exp3A_55, %sub3A_5 : vector<1x5120xf32>
    %mul3A_57 = arith.constant 5.000000e-01 : f32
    %mul3A_58 = vector.broadcast %mul3A_57 : f32 to vector<1x5120xf32>
    %mul3A_59 = arith.mulf %mul3A_58, %mul3A_54 : vector<1x5120xf32>
    %sub3A_60 = arith.subf %add3A_50, %mul3A_59 : vector<1x5120xf32>
    %jit3A = arith.constant 0.000000e+00 : f32
    %jit3A_61 = arith.constant 8.000000e+02 : f32
    %max3A = vector.broadcast %jit3A : f32 to vector<1x5120xf32>
    %max3A_62 = arith.maximumf %max3A, %sub3A_60 : vector<1x5120xf32>
    %min3A_63 = vector.broadcast %jit3A_61 : f32 to vector<1x5120xf32>
    %min3A_64 = arith.minimumf %min3A_63, %max3A_62 : vector<1x5120xf32>
    %mul3A_65 = arith.constant 5.000000e-01 : f32
    %mul3A_66 = vector.broadcast %mul3A_65 : f32 to vector<1x5120xf32>
    %mul3A_67 = arith.mulf %mul3A_66, %mul3A_56 : vector<1x5120xf32>
    %sub3A_68 = arith.subf %add3A_52, %mul3A_67 : vector<1x5120xf32>
    %jit3A_69 = arith.constant 0.000000e+00 : f32
    %jit3A_70 = arith.constant 8.000000e+02 : f32
    %max3A_71 = vector.broadcast %jit3A_69 : f32 to vector<1x5120xf32>
    %max3A_72 = arith.maximumf %max3A_71, %sub3A_68 : vector<1x5120xf32>
    %min3A_73 = vector.broadcast %jit3A_70 : f32 to vector<1x5120xf32>
    %min3A_74 = arith.minimumf %min3A_73, %max3A_72 : vector<1x5120xf32>
    %mul3A_75 = arith.constant 5.000000e-01 : f32
    %mul3A_76 = vector.broadcast %mul3A_75 : f32 to vector<1x5120xf32>
    %mul3A_77 = arith.mulf %mul3A_76, %mul3A_54 : vector<1x5120xf32>
    %add3A_78 = arith.addf %add3A_50, %mul3A_77 : vector<1x5120xf32>
    %jit3A_79 = arith.constant 0.000000e+00 : f32
    %jit3A_80 = arith.constant 8.000000e+02 : f32
    %max3A_81 = vector.broadcast %jit3A_79 : f32 to vector<1x5120xf32>
    %max3A_82 = arith.maximumf %max3A_81, %add3A_78 : vector<1x5120xf32>
    %min3A_83 = vector.broadcast %jit3A_80 : f32 to vector<1x5120xf32>
    %min3A_84 = arith.minimumf %min3A_83, %max3A_82 : vector<1x5120xf32>
    %mul3A_85 = arith.constant 5.000000e-01 : f32
    %mul3A_86 = vector.broadcast %mul3A_85 : f32 to vector<1x5120xf32>
    %mul3A_87 = arith.mulf %mul3A_86, %mul3A_56 : vector<1x5120xf32>
    %add3A_88 = arith.addf %add3A_52, %mul3A_87 : vector<1x5120xf32>
    %jit3A_89 = arith.constant 0.000000e+00 : f32
    %jit3A_90 = arith.constant 8.000000e+02 : f32
    %max3A_91 = vector.broadcast %jit3A_89 : f32 to vector<1x5120xf32>
    %max3A_92 = arith.maximumf %max3A_91, %add3A_88 : vector<1x5120xf32>
    %min3A_93 = vector.broadcast %jit3A_90 : f32 to vector<1x5120xf32>
    %min3A_94 = arith.minimumf %min3A_93, %max3A_92 : vector<1x5120xf32>
    %slice3A_95 = vector.extract_strided_slice %div3A_22 {offsets = [1, 0], sizes = [1, 5120], strides = [1, 1]} : vector<3x5120xf32> to vector<1x5120xf32>
    %gt3A = arith.constant 3.000000e-01 : f32
    %gt3A_96 = vector.broadcast %gt3A : f32 to vector<1x5120xf32>
    %gt3A_97 = arith.cmpf ogt, %slice3A_95, %gt3A_96 : vector<1x5120xf32>
    %sub3A_98 = arith.subf %min3A_84, %min3A_64 : vector<1x5120xf32>
    %ge3A = arith.constant 0.00999999977 : f32
    %ge3A_99 = vector.broadcast %ge3A : f32 to vector<1x5120xf32>
    %ge3A_100 = arith.cmpf oge, %sub3A_98, %ge3A_99 : vector<1x5120xf32>
    %and3A = arith.andi %gt3A_97, %ge3A_100 : vector<1x5120xi1>
    %sub3A_101 = arith.subf %min3A_94, %min3A_74 : vector<1x5120xf32>
    %ge3A_102 = arith.constant 0.00999999977 : f32
    %ge3A_103 = vector.broadcast %ge3A_102 : f32 to vector<1x5120xf32>
    %ge3A_104 = arith.cmpf oge, %sub3A_101, %ge3A_103 : vector<1x5120xf32>
    %and3A_105 = arith.andi %and3A, %ge3A_104 : vector<1x5120xi1>
    %and3A_106 = arith.andi %and3A_105, %lt3A_27 : vector<1x5120xi1>
    %swap3A = arith.constant 0 : index
    %swap3A_107 = arith.constant 0 : index
    %swap3A_108 = vector.load %arg3[%swap3A, %swap3A_107] : memref<2x5120xf32, #tpu.memory_space<vmem>>, vector<1x5120xf32>
    tpu.vector_store %arg3[%swap3A, %swap3A_107], %min3A_64 {strides = array<i32>} : memref<2x5120xf32, #tpu.memory_space<vmem>>, vector<1x5120xf32>,
    %swap3A_109 = arith.constant 0 : index
    %swap3A_110 = arith.constant 0 : index
    %swap3A_111 = vector.load %arg4[%swap3A_109, %swap3A_110] : memref<2x5120xf32, #tpu.memory_space<vmem>>, vector<1x5120xf32>
    tpu.vector_store %arg4[%swap3A_109, %swap3A_110], %min3A_74 {strides = array<i32>} : memref<2x5120xf32, #tpu.memory_space<vmem>>, vector<1x5120xf32>,
    %swap3A_112 = arith.constant 0 : index
    %swap3A_113 = arith.constant 0 : index
    %swap3A_114 = vector.load %arg5[%swap3A_112, %swap3A_113] : memref<2x5120xf32, #tpu.memory_space<vmem>>, vector<1x5120xf32>
    tpu.vector_store %arg5[%swap3A_112, %swap3A_113], %min3A_84 {strides = array<i32>} : memref<2x5120xf32, #tpu.memory_space<vmem>>, vector<1x5120xf32>,
    %swap3A_115 = arith.constant 0 : index
    %swap3A_116 = arith.constant 0 : index
    %swap3A_117 = vector.load %arg6[%swap3A_115, %swap3A_116] : memref<2x5120xf32, #tpu.memory_space<vmem>>, vector<1x5120xf32>
    tpu.vector_store %arg6[%swap3A_115, %swap3A_116], %min3A_94 {strides = array<i32>} : memref<2x5120xf32, #tpu.memory_space<vmem>>, vector<1x5120xf32>,
    %swap3A_118 = arith.constant 0 : index
    %swap3A_119 = arith.constant 0 : index
    %swap3A_120 = vector.load %arg7[%swap3A_118, %swap3A_119] : memref<2x5120xf32, #tpu.memory_space<vmem>>, vector<1x5120xf32>
    tpu.vector_store %arg7[%swap3A_118, %swap3A_119], %slice3A_95 {strides = array<i32>} : memref<2x5120xf32, #tpu.memory_space<vmem>>, vector<1x5120xf32>,
    %jit3A_121 = arith.constant 1.000000e+00 : f32
    %jit3A_122 = arith.constant 0.000000e+00 : f32
    %broadcast_in_dim3A_123 = vector.broadcast %jit3A_121 : f32 to vector<1x5120xf32>
    %broadcast_in_dim3A_124 = vector.broadcast %jit3A_122 : f32 to vector<1x5120xf32>
    %select_n3A = arith.select %and3A_106, %broadcast_in_dim3A_123, %broadcast_in_dim3A_124 : vector<1x5120xi1>, vector<1x5120xf32>
    %swap3A_125 = arith.constant 0 : index
    %swap3A_126 = arith.constant 0 : index
    %swap3A_127 = vector.load %arg8[%swap3A_125, %swap3A_126] : memref<2x5120xf32, #tpu.memory_space<vmem>>, vector<1x5120xf32>
    tpu.vector_store %arg8[%swap3A_125, %swap3A_126], %select_n3A {strides = array<i32>} : memref<2x5120xf32, #tpu.memory_space<vmem>>, vector<1x5120xf32>,
    %slice3A_128 = vector.extract_strided_slice %get3A_25 {offsets = [8, 0], sizes = [1, 5120], strides = [1, 1]} : vector<12x5120xf32> to vector<1x5120xf32>
    %mul3A_129 = arith.constant 1.000000e-01 : f32
    %mul3A_130 = vector.broadcast %mul3A_129 : f32 to vector<1x5120xf32>
    %mul3A_131 = arith.mulf %slice3A_128, %mul3A_130 : vector<1x5120xf32>
    %slice3A_132 = vector.extract_strided_slice %get3A_25 {offsets = [9, 0], sizes = [1, 5120], strides = [1, 1]} : vector<12x5120xf32> to vector<1x5120xf32>
    %mul3A_133 = arith.constant 1.000000e-01 : f32
    %mul3A_134 = vector.broadcast %mul3A_133 : f32 to vector<1x5120xf32>
    %mul3A_135 = arith.mulf %slice3A_132, %mul3A_134 : vector<1x5120xf32>
    %slice3A_136 = vector.extract_strided_slice %get3A_25 {offsets = [10, 0], sizes = [1, 5120], strides = [1, 1]} : vector<12x5120xf32> to vector<1x5120xf32>
    %mul3A_137 = arith.constant 2.000000e-01 : f32
    %mul3A_138 = vector.broadcast %mul3A_137 : f32 to vector<1x5120xf32>
    %mul3A_139 = arith.mulf %slice3A_136, %mul3A_138 : vector<1x5120xf32>
    %min3A_140 = arith.constant 4.13516665 : f32
    %min3A_141 = vector.broadcast %min3A_140 : f32 to vector<1x5120xf32>
    %min3A_142 = arith.minimumf %mul3A_139, %min3A_141 : vector<1x5120xf32>
    %slice3A_143 = vector.extract_strided_slice %get3A_25 {offsets = [11, 0], sizes = [1, 5120], strides = [1, 1]} : vector<12x5120xf32> to vector<1x5120xf32>
    %mul3A_144 = arith.constant 2.000000e-01 : f32
    %mul3A_145 = vector.broadcast %mul3A_144 : f32 to vector<1x5120xf32>
    %mul3A_146 = arith.mulf %slice3A_143, %mul3A_145 : vector<1x5120xf32>
    %min3A_147 = arith.constant 4.13516665 : f32
    %min3A_148 = vector.broadcast %min3A_147 : f32 to vector<1x5120xf32>
    %min3A_149 = arith.minimumf %mul3A_146, %min3A_148 : vector<1x5120xf32>
    %mul3A_150 = arith.mulf %mul3A_131, %sub3A : vector<1x5120xf32>
    %add3A_151 = arith.addf %mul3A_150, %add3A : vector<1x5120xf32>
    %mul3A_152 = arith.mulf %mul3A_135, %sub3A_5 : vector<1x5120xf32>
    %add3A_153 = arith.addf %mul3A_152, %add3A_13 : vector<1x5120xf32>
    %exp3A_154 = math.exp %min3A_142 : vector<1x5120xf32>
    %mul3A_155 = arith.mulf %exp3A_154, %sub3A : vector<1x5120xf32>
    %exp3A_156 = math.exp %min3A_149 : vector<1x5120xf32>
    %mul3A_157 = arith.mulf %exp3A_156, %sub3A_5 : vector<1x5120xf32>
    %mul3A_158 = arith.constant 5.000000e-01 : f32
    %mul3A_159 = vector.broadcast %mul3A_158 : f32 to vector<1x5120xf32>
    %mul3A_160 = arith.mulf %mul3A_159, %mul3A_155 : vector<1x5120xf32>
    %sub3A_161 = arith.subf %add3A_151, %mul3A_160 : vector<1x5120xf32>
    %jit3A_162 = arith.constant 0.000000e+00 : f32
    %jit3A_163 = arith.constant 8.000000e+02 : f32
    %max3A_164 = vector.broadcast %jit3A_162 : f32 to vector<1x5120xf32>
    %max3A_165 = arith.maximumf %max3A_164, %sub3A_161 : vector<1x5120xf32>
    %min3A_166 = vector.broadcast %jit3A_163 : f32 to vector<1x5120xf32>
    %min3A_167 = arith.minimumf %min3A_166, %max3A_165 : vector<1x5120xf32>
    %mul3A_168 = arith.constant 5.000000e-01 : f32
    %mul3A_169 = vector.broadcast %mul3A_168 : f32 to vector<1x5120xf32>
    %mul3A_170 = arith.mulf %mul3A_169, %mul3A_157 : vector<1x5120xf32>
    %sub3A_171 = arith.subf %add3A_153, %mul3A_170 : vector<1x5120xf32>
    %jit3A_172 = arith.constant 0.000000e+00 : f32
    %jit3A_173 = arith.constant 8.000000e+02 : f32
    %max3A_174 = vector.broadcast %jit3A_172 : f32 to vector<1x5120xf32>
    %max3A_175 = arith.maximumf %max3A_174, %sub3A_171 : vector<1x5120xf32>
    %min3A_176 = vector.broadcast %jit3A_173 : f32 to vector<1x5120xf32>
    %min3A_177 = arith.minimumf %min3A_176, %max3A_175 : vector<1x5120xf32>
    %mul3A_178 = arith.constant 5.000000e-01 : f32
    %mul3A_179 = vector.broadcast %mul3A_178 : f32 to vector<1x5120xf32>
    %mul3A_180 = arith.mulf %mul3A_179, %mul3A_155 : vector<1x5120xf32>
    %add3A_181 = arith.addf %add3A_151, %mul3A_180 : vector<1x5120xf32>
    %jit3A_182 = arith.constant 0.000000e+00 : f32
    %jit3A_183 = arith.constant 8.000000e+02 : f32
    %max3A_184 = vector.broadcast %jit3A_182 : f32 to vector<1x5120xf32>
    %max3A_185 = arith.maximumf %max3A_184, %add3A_181 : vector<1x5120xf32>
    %min3A_186 = vector.broadcast %jit3A_183 : f32 to vector<1x5120xf32>
    %min3A_187 = arith.minimumf %min3A_186, %max3A_185 : vector<1x5120xf32>
    %mul3A_188 = arith.constant 5.000000e-01 : f32
    %mul3A_189 = vector.broadcast %mul3A_188 : f32 to vector<1x5120xf32>
    %mul3A_190 = arith.mulf %mul3A_189, %mul3A_157 : vector<1x5120xf32>
    %add3A_191 = arith.addf %add3A_153, %mul3A_190 : vector<1x5120xf32>
    %jit3A_192 = arith.constant 0.000000e+00 : f32
    %jit3A_193 = arith.constant 8.000000e+02 : f32
    %max3A_194 = vector.broadcast %jit3A_192 : f32 to vector<1x5120xf32>
    %max3A_195 = arith.maximumf %max3A_194, %add3A_191 : vector<1x5120xf32>
    %min3A_196 = vector.broadcast %jit3A_193 : f32 to vector<1x5120xf32>
    %min3A_197 = arith.minimumf %min3A_196, %max3A_195 : vector<1x5120xf32>
    %slice3A_198 = vector.extract_strided_slice %div3A_22 {offsets = [2, 0], sizes = [1, 5120], strides = [1, 1]} : vector<3x5120xf32> to vector<1x5120xf32>
    %gt3A_199 = arith.constant 3.000000e-01 : f32
    %gt3A_200 = vector.broadcast %gt3A_199 : f32 to vector<1x5120xf32>
    %gt3A_201 = arith.cmpf ogt, %slice3A_198, %gt3A_200 : vector<1x5120xf32>
    %sub3A_202 = arith.subf %min3A_187, %min3A_167 : vector<1x5120xf32>
    %ge3A_203 = arith.constant 0.00999999977 : f32
    %ge3A_204 = vector.broadcast %ge3A_203 : f32 to vector<1x5120xf32>
    %ge3A_205 = arith.cmpf oge, %sub3A_202, %ge3A_204 : vector<1x5120xf32>
    %and3A_206 = arith.andi %gt3A_201, %ge3A_205 : vector<1x5120xi1>
    %sub3A_207 = arith.subf %min3A_197, %min3A_177 : vector<1x5120xf32>
    %ge3A_208 = arith.constant 0.00999999977 : f32
    %ge3A_209 = vector.broadcast %ge3A_208 : f32 to vector<1x5120xf32>
    %ge3A_210 = arith.cmpf oge, %sub3A_207, %ge3A_209 : vector<1x5120xf32>
    %and3A_211 = arith.andi %and3A_206, %ge3A_210 : vector<1x5120xi1>
    %and3A_212 = arith.andi %and3A_211, %lt3A_27 : vector<1x5120xi1>
    %swap3A_213 = arith.constant 1 : index
    %swap3A_214 = arith.constant 0 : index
    %swap3A_215 = vector.load %arg3[%swap3A_213, %swap3A_214] : memref<2x5120xf32, #tpu.memory_space<vmem>>, vector<1x5120xf32>
    tpu.vector_store %arg3[%swap3A_213, %swap3A_214], %min3A_167 {strides = array<i32>} : memref<2x5120xf32, #tpu.memory_space<vmem>>, vector<1x5120xf32>,
    %swap3A_216 = arith.constant 1 : index
    %swap3A_217 = arith.constant 0 : index
    %swap3A_218 = vector.load %arg4[%swap3A_216, %swap3A_217] : memref<2x5120xf32, #tpu.memory_space<vmem>>, vector<1x5120xf32>
    tpu.vector_store %arg4[%swap3A_216, %swap3A_217], %min3A_177 {strides = array<i32>} : memref<2x5120xf32, #tpu.memory_space<vmem>>, vector<1x5120xf32>,
    %swap3A_219 = arith.constant 1 : index
    %swap3A_220 = arith.constant 0 : index
    %swap3A_221 = vector.load %arg5[%swap3A_219, %swap3A_220] : memref<2x5120xf32, #tpu.memory_space<vmem>>, vector<1x5120xf32>
    tpu.vector_store %arg5[%swap3A_219, %swap3A_220], %min3A_187 {strides = array<i32>} : memref<2x5120xf32, #tpu.memory_space<vmem>>, vector<1x5120xf32>,
    %swap3A_222 = arith.constant 1 : index
    %swap3A_223 = arith.constant 0 : index
    %swap3A_224 = vector.load %arg6[%swap3A_222, %swap3A_223] : memref<2x5120xf32, #tpu.memory_space<vmem>>, vector<1x5120xf32>
    tpu.vector_store %arg6[%swap3A_222, %swap3A_223], %min3A_197 {strides = array<i32>} : memref<2x5120xf32, #tpu.memory_space<vmem>>, vector<1x5120xf32>,
    %swap3A_225 = arith.constant 1 : index
    %swap3A_226 = arith.constant 0 : index
    %swap3A_227 = vector.load %arg7[%swap3A_225, %swap3A_226] : memref<2x5120xf32, #tpu.memory_space<vmem>>, vector<1x5120xf32>
    tpu.vector_store %arg7[%swap3A_225, %swap3A_226], %slice3A_198 {strides = array<i32>} : memref<2x5120xf32, #tpu.memory_space<vmem>>, vector<1x5120xf32>,
    %jit3A_228 = arith.constant 1.000000e+00 : f32
    %jit3A_229 = arith.constant 0.000000e+00 : f32
    %broadcast_in_dim3A_230 = vector.broadcast %jit3A_228 : f32 to vector<1x5120xf32>
    %broadcast_in_dim3A_231 = vector.broadcast %jit3A_229 : f32 to vector<1x5120xf32>
    %select_n3A_232 = arith.select %and3A_212, %broadcast_in_dim3A_230, %broadcast_in_dim3A_231 : vector<1x5120xi1>, vector<1x5120xf32>
    %swap3A_233 = arith.constant 1 : index
    %swap3A_234 = arith.constant 0 : index
    %swap3A_235 = vector.load %arg8[%swap3A_233, %swap3A_234] : memref<2x5120xf32, #tpu.memory_space<vmem>>, vector<1x5120xf32>
    tpu.vector_store %arg8[%swap3A_233, %swap3A_234], %select_n3A_232 {strides = array<i32>} : memref<2x5120xf32, #tpu.memory_space<vmem>>, vector<1x5120xf32>,
    return
  }
}

module attributes {stable_mosaic.version = 14 : i64} {
  func.func @_nms_kernel(%arg0: memref<40x256xf32, #tpu.memory_space<vmem>>, %arg1: memref<40x256xf32, #tpu.memory_space<vmem>>, %arg2: memref<40x256xf32, #tpu.memory_space<vmem>>, %arg3: memref<40x256xf32, #tpu.memory_space<vmem>>, %arg4: memref<40x256xf32, #tpu.memory_space<vmem>>, %arg5: memref<40x256xf32, #tpu.memory_space<vmem>>, %arg6: memref<40x256xf32, #tpu.memory_space<vmem>>, %arg7: memref<40x256xf32, #tpu.memory_space<vmem>>, %arg8: memref<40x256xf32, #tpu.memory_space<vmem>>, %arg9: memref<40x256xf32, #tpu.memory_space<vmem>>, %arg10: memref<40x256xf32, #tpu.memory_space<vmem>>, %arg11: memref<40x256xf32, #tpu.memory_space<vmem>>, %arg12: memref<256x256xf32, #tpu.memory_space<vmem>>) attributes {dimension_semantics = [], scalar_prefetch = 0 : i64, scratch_operands = 6 : i64, tpu.core_type = #tpu.core_type<tc>} {
    %get3A = arith.constant 0 : index
    %get3A_0 = arith.constant 0 : index
    %get3A_1 = vector.load %arg4[%get3A, %get3A_0] : memref<40x256xf32, #tpu.memory_space<vmem>>, vector<40x256xf32>
    %mul3A = arith.constant 8.010000e+02 : f32
    %mul3A_2 = vector.broadcast %mul3A : f32 to vector<40x256xf32>
    %mul3A_3 = arith.mulf %get3A_1, %mul3A_2 : vector<40x256xf32>
    %get3A_4 = arith.constant 0 : index
    %get3A_5 = arith.constant 0 : index
    %get3A_6 = vector.load %arg0[%get3A_4, %get3A_5] : memref<40x256xf32, #tpu.memory_space<vmem>>, vector<40x256xf32>
    %get3A_7 = arith.constant 0 : index
    %get3A_8 = arith.constant 0 : index
    %get3A_9 = vector.load %arg1[%get3A_7, %get3A_8] : memref<40x256xf32, #tpu.memory_space<vmem>>, vector<40x256xf32>
    %get3A_10 = arith.constant 0 : index
    %get3A_11 = arith.constant 0 : index
    %get3A_12 = vector.load %arg2[%get3A_10, %get3A_11] : memref<40x256xf32, #tpu.memory_space<vmem>>, vector<40x256xf32>
    %get3A_13 = arith.constant 0 : index
    %get3A_14 = arith.constant 0 : index
    %get3A_15 = vector.load %arg3[%get3A_13, %get3A_14] : memref<40x256xf32, #tpu.memory_space<vmem>>, vector<40x256xf32>
    %add3A = arith.addf %get3A_6, %mul3A_3 : vector<40x256xf32>
    %swap3A = arith.constant 0 : index
    %swap3A_16 = arith.constant 0 : index
    %swap3A_17 = vector.load %arg7[%swap3A, %swap3A_16] : memref<40x256xf32, #tpu.memory_space<vmem>>, vector<40x256xf32>
    tpu.vector_store %arg7[%swap3A, %swap3A_16], %add3A {strides = array<i32>} : memref<40x256xf32, #tpu.memory_space<vmem>>, vector<40x256xf32>,
    %add3A_18 = arith.addf %get3A_9, %mul3A_3 : vector<40x256xf32>
    %swap3A_19 = arith.constant 0 : index
    %swap3A_20 = arith.constant 0 : index
    %swap3A_21 = vector.load %arg8[%swap3A_19, %swap3A_20] : memref<40x256xf32, #tpu.memory_space<vmem>>, vector<40x256xf32>
    tpu.vector_store %arg8[%swap3A_19, %swap3A_20], %add3A_18 {strides = array<i32>} : memref<40x256xf32, #tpu.memory_space<vmem>>, vector<40x256xf32>,
    %add3A_22 = arith.addf %get3A_12, %mul3A_3 : vector<40x256xf32>
    %swap3A_23 = arith.constant 0 : index
    %swap3A_24 = arith.constant 0 : index
    %swap3A_25 = vector.load %arg9[%swap3A_23, %swap3A_24] : memref<40x256xf32, #tpu.memory_space<vmem>>, vector<40x256xf32>
    tpu.vector_store %arg9[%swap3A_23, %swap3A_24], %add3A_22 {strides = array<i32>} : memref<40x256xf32, #tpu.memory_space<vmem>>, vector<40x256xf32>,
    %add3A_26 = arith.addf %get3A_15, %mul3A_3 : vector<40x256xf32>
    %swap3A_27 = arith.constant 0 : index
    %swap3A_28 = arith.constant 0 : index
    %swap3A_29 = vector.load %arg10[%swap3A_27, %swap3A_28] : memref<40x256xf32, #tpu.memory_space<vmem>>, vector<40x256xf32>
    tpu.vector_store %arg10[%swap3A_27, %swap3A_28], %add3A_26 {strides = array<i32>} : memref<40x256xf32, #tpu.memory_space<vmem>>, vector<40x256xf32>,
    %sub3A = arith.subf %get3A_12, %get3A_6 : vector<40x256xf32>
    %sub3A_30 = arith.subf %get3A_15, %get3A_9 : vector<40x256xf32>
    %mul3A_31 = arith.mulf %sub3A, %sub3A_30 : vector<40x256xf32>
    %swap3A_32 = arith.constant 0 : index
    %swap3A_33 = arith.constant 0 : index
    %swap3A_34 = vector.load %arg11[%swap3A_32, %swap3A_33] : memref<40x256xf32, #tpu.memory_space<vmem>>, vector<40x256xf32>
    tpu.vector_store %arg11[%swap3A_32, %swap3A_33], %mul3A_31 {strides = array<i32>} : memref<40x256xf32, #tpu.memory_space<vmem>>, vector<40x256xf32>,
    %get3A_35 = arith.constant 0 : index
    %get3A_36 = arith.constant 0 : index
    %get3A_37 = vector.load %arg5[%get3A_35, %get3A_36] : memref<40x256xf32, #tpu.memory_space<vmem>>, vector<40x256xf32>
    %swap3A_38 = arith.constant 0 : index
    %swap3A_39 = arith.constant 0 : index
    %swap3A_40 = vector.load %arg6[%swap3A_38, %swap3A_39] : memref<40x256xf32, #tpu.memory_space<vmem>>, vector<40x256xf32>
    tpu.vector_store %arg6[%swap3A_38, %swap3A_39], %get3A_37 {strides = array<i32>} : memref<40x256xf32, #tpu.memory_space<vmem>>, vector<40x256xf32>,
    %reduce_sum3A = vector.shape_cast %get3A_37 : vector<40x256xf32> to vector<1x40x256xf32>
    %reduce_sum3A_41 = arith.constant dense<0.000000e+00> : vector<1xf32>
    %reduce_sum3A_42 = vector.multi_reduction <add>, %reduce_sum3A, %reduce_sum3A_41 [1, 2] : vector<1x40x256xf32> to vector<1xf32>
    %reduce_sum3A_43 = vector.shape_cast %reduce_sum3A_42 : vector<1xf32> to vector<1x1x1xf32>
    %reduce_sum3A_44 = vector.extract %reduce_sum3A_43[0, 0, 0] : f32 from vector<1x1x1xf32>
    %convert_element_type3A = arith.fptosi %reduce_sum3A_44 : f32 to i32
    %add3A_45 = arith.constant 256 : i32
    %add3A_46 = arith.addi %convert_element_type3A, %add3A_45 : i32
    %sub3A_47 = arith.constant 1 : i32
    %sub3A_48 = arith.subi %add3A_46, %sub3A_47 : i32
    %jit3A = arith.constant 256 : i32
    %div3A = arith.divsi %sub3A_48, %jit3A : i32
    %sign3A = arith.constant 0 : i32
    %sign3A_49 = arith.cmpi sgt, %sub3A_48, %sign3A : i32
    %sign3A_50 = arith.extui %sign3A_49 : i1 to i32
    %sign3A_51 = arith.constant 0 : i32
    %sign3A_52 = arith.cmpi slt, %sub3A_48, %sign3A_51 : i32
    %sign3A_53 = arith.extui %sign3A_52 : i1 to i32
    %sign3A_54 = arith.subi %sign3A_50, %sign3A_53 : i32
    %sign3A_55 = arith.constant 0 : i32
    %sign3A_56 = arith.cmpi sgt, %jit3A, %sign3A_55 : i32
    %sign3A_57 = arith.extui %sign3A_56 : i1 to i32
    %sign3A_58 = arith.constant 0 : i32
    %sign3A_59 = arith.cmpi slt, %jit3A, %sign3A_58 : i32
    %sign3A_60 = arith.extui %sign3A_59 : i1 to i32
    %sign3A_61 = arith.subi %sign3A_57, %sign3A_60 : i32
    %ne3A = arith.cmpi ne, %sign3A_54, %sign3A_61 : i32
    %rem3A = arith.remsi %sub3A_48, %jit3A : i32
    %ne3A_62 = arith.constant 0 : i32
    %ne3A_63 = arith.cmpi ne, %rem3A, %ne3A_62 : i32
    %and3A = arith.andi %ne3A, %ne3A_63 : i1
    %sub3A_64 = arith.constant 1 : i32
    %sub3A_65 = arith.subi %div3A, %sub3A_64 : i32
    %select_n3A = arith.select %and3A, %sub3A_65, %div3A : i32
    %min3A = arith.constant 40 : i32
    %min3A_66 = arith.minsi %select_n3A, %min3A : i32
    %iota3A = tpu.iota {dimensions = array<i32: 0>} : vector<256x256xi32>
    %iota3A_67 = tpu.iota {dimensions = array<i32: 1>} : vector<256x256xi32>
    %while3A = arith.constant 0 : i32
    %while3A_68 = arith.constant 0 : i32
    %while3A_69 = arith.subi %min3A_66, %while3A_68 : i32
    %while3A_70 = arith.addi %while3A_68, %while3A_69 : i32
    %while3A_71 = arith.constant 1 : i32
    %while3A_72 = arith.divsi %while3A_69, %while3A_71 : i32
    %while3A_73 = arith.muli %while3A_72, %while3A_71 : i32
    %while3A_74 = arith.addi %while3A_68, %while3A_73 : i32
    %while3A_75 = arith.constant 1 : i32
    scf.for %while3A_77 = %while3A_68 to %while3A_74 step %while3A_75  : i32 {
      %get3A_78 = arith.index_cast %while3A_77 : i32 to index
      %get3A_79 = arith.constant 0 : index
      %get3A_80 = vector.load %arg7[%get3A_78, %get3A_79] : memref<40x256xf32, #tpu.memory_space<vmem>>, vector<1x256xf32>
      %get3A_81 = arith.index_cast %while3A_77 : i32 to index
      %get3A_82 = arith.constant 0 : index
      %get3A_83 = vector.load %arg8[%get3A_81, %get3A_82] : memref<40x256xf32, #tpu.memory_space<vmem>>, vector<1x256xf32>
      %get3A_84 = arith.index_cast %while3A_77 : i32 to index
      %get3A_85 = arith.constant 0 : index
      %get3A_86 = vector.load %arg9[%get3A_84, %get3A_85] : memref<40x256xf32, #tpu.memory_space<vmem>>, vector<1x256xf32>
      %get3A_87 = arith.index_cast %while3A_77 : i32 to index
      %get3A_88 = arith.constant 0 : index
      %get3A_89 = vector.load %arg10[%get3A_87, %get3A_88] : memref<40x256xf32, #tpu.memory_space<vmem>>, vector<1x256xf32>
      %get3A_90 = arith.index_cast %while3A_77 : i32 to index
      %get3A_91 = arith.constant 0 : index
      %get3A_92 = vector.load %arg11[%get3A_90, %get3A_91] : memref<40x256xf32, #tpu.memory_space<vmem>>, vector<1x256xf32>
      %reshape3A = vector.shape_cast %get3A_80 : vector<1x256xf32> to vector<256x1xf32>
      %reshape3A_93 = vector.shape_cast %get3A_83 : vector<1x256xf32> to vector<256x1xf32>
      %reshape3A_94 = vector.shape_cast %get3A_86 : vector<1x256xf32> to vector<256x1xf32>
      %reshape3A_95 = vector.shape_cast %get3A_89 : vector<1x256xf32> to vector<256x1xf32>
      %reshape3A_96 = vector.shape_cast %get3A_92 : vector<1x256xf32> to vector<256x1xf32>
      %max3A = vector.broadcast %reshape3A : vector<256x1xf32> to vector<256x256xf32>
      %max3A_97 = vector.broadcast %get3A_80 : vector<1x256xf32> to vector<256x256xf32>
      %max3A_98 = arith.maximumf %max3A, %max3A_97 : vector<256x256xf32>
      %max3A_99 = vector.broadcast %reshape3A_93 : vector<256x1xf32> to vector<256x256xf32>
      %max3A_100 = vector.broadcast %get3A_83 : vector<1x256xf32> to vector<256x256xf32>
      %max3A_101 = arith.maximumf %max3A_99, %max3A_100 : vector<256x256xf32>
      %min3A_102 = vector.broadcast %reshape3A_94 : vector<256x1xf32> to vector<256x256xf32>
      %min3A_103 = vector.broadcast %get3A_86 : vector<1x256xf32> to vector<256x256xf32>
      %min3A_104 = arith.minimumf %min3A_102, %min3A_103 : vector<256x256xf32>
      %min3A_105 = vector.broadcast %reshape3A_95 : vector<256x1xf32> to vector<256x256xf32>
      %min3A_106 = vector.broadcast %get3A_89 : vector<1x256xf32> to vector<256x256xf32>
      %min3A_107 = arith.minimumf %min3A_105, %min3A_106 : vector<256x256xf32>
      %sub3A_108 = arith.subf %min3A_104, %max3A_98 : vector<256x256xf32>
      %max3A_109 = arith.constant 0.000000e+00 : f32
      %max3A_110 = vector.broadcast %max3A_109 : f32 to vector<256x256xf32>
      %max3A_111 = arith.maximumf %sub3A_108, %max3A_110 : vector<256x256xf32>
      %sub3A_112 = arith.subf %min3A_107, %max3A_101 : vector<256x256xf32>
      %max3A_113 = arith.constant 0.000000e+00 : f32
      %max3A_114 = vector.broadcast %max3A_113 : f32 to vector<256x256xf32>
      %max3A_115 = arith.maximumf %sub3A_112, %max3A_114 : vector<256x256xf32>
      %mul3A_116 = arith.mulf %max3A_111, %max3A_115 : vector<256x256xf32>
      %add3A_117 = vector.broadcast %reshape3A_96 : vector<256x1xf32> to vector<256x256xf32>
      %add3A_118 = vector.broadcast %get3A_92 : vector<1x256xf32> to vector<256x256xf32>
      %add3A_119 = arith.addf %add3A_117, %add3A_118 : vector<256x256xf32>
      %sub3A_120 = arith.subf %add3A_119, %mul3A_116 : vector<256x256xf32>
      %add3A_121 = arith.constant 9.99999971E-10 : f32
      %add3A_122 = vector.broadcast %add3A_121 : f32 to vector<256x256xf32>
      %add3A_123 = arith.addf %sub3A_120, %add3A_122 : vector<256x256xf32>
      %div3A_124 = arith.divf %mul3A_116, %add3A_123 : vector<256x256xf32>
      %gt3A = arith.constant 3.000000e-01 : f32
      %gt3A_125 = vector.broadcast %gt3A : f32 to vector<256x256xf32>
      %gt3A_126 = arith.cmpf ogt, %div3A_124, %gt3A_125 : vector<256x256xf32>
      %gt3A_127 = arith.cmpi sgt, %iota3A_67, %iota3A : vector<256x256xi32>
      %and3A_128 = arith.andi %gt3A_126, %gt3A_127 : vector<256x256xi1>
      %jit3A_129 = arith.constant 1.000000e+00 : f32
      %jit3A_130 = arith.constant 0.000000e+00 : f32
      %broadcast_in_dim3A = vector.broadcast %jit3A_129 : f32 to vector<256x256xf32>
      %broadcast_in_dim3A_131 = vector.broadcast %jit3A_130 : f32 to vector<256x256xf32>
      %select_n3A_132 = arith.select %and3A_128, %broadcast_in_dim3A, %broadcast_in_dim3A_131 : vector<256x256xi1>, vector<256x256xf32>
      %swap3A_133 = arith.constant 0 : index
      %swap3A_134 = arith.constant 0 : index
      %swap3A_135 = vector.load %arg12[%swap3A_133, %swap3A_134] : memref<256x256xf32, #tpu.memory_space<vmem>>, vector<256x256xf32>
      tpu.vector_store %arg12[%swap3A_133, %swap3A_134], %select_n3A_132 {strides = array<i32>} : memref<256x256xf32, #tpu.memory_space<vmem>>, vector<256x256xf32>,
      %get3A_136 = arith.index_cast %while3A_77 : i32 to index
      %get3A_137 = arith.constant 0 : index
      %get3A_138 = vector.load %arg6[%get3A_136, %get3A_137] : memref<40x256xf32, #tpu.memory_space<vmem>>, vector<1x256xf32>
      %broadcast_in_dim3A_139 = arith.constant 0.000000e+00 : f32
      %broadcast_in_dim3A_140 = vector.broadcast %broadcast_in_dim3A_139 : f32 to vector<1x256xf32>
      %while3A_141:2 = scf.while (%while3A_157 = %broadcast_in_dim3A_140, %while3A_158 = %get3A_138) : (vector<1x256xf32>, vector<1x256xf32>) -> (vector<1x256xf32>, vector<1x256xf32>) {
        %reduce_sum3A_159 = vector.shape_cast %while3A_158 : vector<1x256xf32> to vector<1x1x256xf32>
        %reduce_sum3A_160 = arith.constant dense<0.000000e+00> : vector<1xf32>
        %reduce_sum3A_161 = vector.multi_reduction <add>, %reduce_sum3A_159, %reduce_sum3A_160 [1, 2] : vector<1x1x256xf32> to vector<1xf32>
        %reduce_sum3A_162 = vector.shape_cast %reduce_sum3A_161 : vector<1xf32> to vector<1x1x1xf32>
        %reduce_sum3A_163 = vector.extract %reduce_sum3A_162[0, 0, 0] : f32 from vector<1x1x1xf32>
        %gt3A_164 = arith.constant 0.000000e+00 : f32
        %gt3A_165 = arith.cmpf ogt, %reduce_sum3A_163, %gt3A_164 : f32
        scf.condition(%gt3A_165) %while3A_157, %while3A_158 : vector<1x256xf32>, vector<1x256xf32>
      } do {
      ^bb0(%while3A_157: vector<1x256xf32>, %while3A_158: vector<1x256xf32>):
        %get3A_159 = arith.constant 0 : index
        %get3A_160 = arith.constant 0 : index
        %get3A_161 = vector.load %arg12[%get3A_159, %get3A_160] : memref<256x256xf32, #tpu.memory_space<vmem>>, vector<256x256xf32>
        %add3A_162 = arith.addf %while3A_157, %while3A_158 : vector<1x256xf32>
        %reshape3A_163 = vector.shape_cast %add3A_162 : vector<1x256xf32> to vector<256x1xf32>
        %mul3A_164 = vector.broadcast %reshape3A_163 : vector<256x1xf32> to vector<256x256xf32>
        %mul3A_165 = arith.mulf %get3A_161, %mul3A_164 : vector<256x256xf32>
        %reduce_max3A = arith.constant dense<0xFF800000> : vector<256xf32>
        %reduce_max3A_166 = vector.multi_reduction <maximumf>, %mul3A_165, %reduce_max3A [0] : vector<256x256xf32> to vector<256xf32>
        %broadcast_in_dim3A_167 = vector.shape_cast %reduce_max3A_166 : vector<256xf32> to vector<1x256xf32>
        %sub3A_168 = arith.constant 1.000000e+00 : f32
        %sub3A_169 = vector.broadcast %sub3A_168 : f32 to vector<1x256xf32>
        %sub3A_170 = arith.subf %sub3A_169, %broadcast_in_dim3A_167 : vector<1x256xf32>
        %mul3A_171 = arith.mulf %while3A_158, %sub3A_170 : vector<1x256xf32>
        %add3A_172 = arith.addf %while3A_157, %mul3A_171 : vector<1x256xf32>
        %reshape3A_173 = vector.shape_cast %add3A_172 : vector<1x256xf32> to vector<256x1xf32>
        %mul3A_174 = vector.broadcast %reshape3A_173 : vector<256x1xf32> to vector<256x256xf32>
        %mul3A_175 = arith.mulf %get3A_161, %mul3A_174 : vector<256x256xf32>
        %reduce_max3A_176 = arith.constant dense<0xFF800000> : vector<256xf32>
        %reduce_max3A_177 = vector.multi_reduction <maximumf>, %mul3A_175, %reduce_max3A_176 [0] : vector<256x256xf32> to vector<256xf32>
        %broadcast_in_dim3A_178 = vector.shape_cast %reduce_max3A_177 : vector<256xf32> to vector<1x256xf32>
        %sub3A_179 = arith.constant 1.000000e+00 : f32
        %sub3A_180 = vector.broadcast %sub3A_179 : f32 to vector<1x256xf32>
        %sub3A_181 = arith.subf %sub3A_180, %mul3A_171 : vector<1x256xf32>
        %mul3A_182 = arith.mulf %while3A_158, %sub3A_181 : vector<1x256xf32>
        %sub3A_183 = arith.constant 1.000000e+00 : f32
        %sub3A_184 = vector.broadcast %sub3A_183 : f32 to vector<1x256xf32>
        %sub3A_185 = arith.subf %sub3A_184, %broadcast_in_dim3A_178 : vector<1x256xf32>
        %mul3A_186 = arith.mulf %mul3A_182, %sub3A_185 : vector<1x256xf32>
        scf.yield %add3A_172, %mul3A_186 : vector<1x256xf32>, vector<1x256xf32>
      }
      %swap3A_142 = arith.index_cast %while3A_77 : i32 to index
      %swap3A_143 = arith.constant 0 : index
      %swap3A_144 = vector.load %arg6[%swap3A_142, %swap3A_143] : memref<40x256xf32, #tpu.memory_space<vmem>>, vector<1x256xf32>
      tpu.vector_store %arg6[%swap3A_142, %swap3A_143], %while3A_141#0 {strides = array<i32>} : memref<40x256xf32, #tpu.memory_space<vmem>>, vector<1x256xf32>,
      %reshape3A_145 = vector.shape_cast %while3A_141#0 : vector<1x256xf32> to vector<256x1xf32>
      %add3A_146 = arith.constant 1 : i32
      %add3A_147 = arith.addi %while3A_77, %add3A_146 : i32
      %while3A_148 = arith.constant 0 : i32
      %while3A_149 = arith.subi %min3A_66, %add3A_147 : i32
      %while3A_150 = arith.addi %add3A_147, %while3A_149 : i32
      %while3A_151 = arith.constant 1 : i32
      %while3A_152 = arith.divsi %while3A_149, %while3A_151 : i32
      %while3A_153 = arith.muli %while3A_152, %while3A_151 : i32
      %while3A_154 = arith.addi %add3A_147, %while3A_153 : i32
      %while3A_155 = arith.constant 1 : i32
      scf.for %while3A_157 = %add3A_147 to %while3A_154 step %while3A_155  : i32 {
        %get3A_158 = arith.index_cast %while3A_157 : i32 to index
        %get3A_159 = arith.constant 0 : index
        %get3A_160 = vector.load %arg7[%get3A_158, %get3A_159] : memref<40x256xf32, #tpu.memory_space<vmem>>, vector<1x256xf32>
        %get3A_161 = arith.index_cast %while3A_157 : i32 to index
        %get3A_162 = arith.constant 0 : index
        %get3A_163 = vector.load %arg8[%get3A_161, %get3A_162] : memref<40x256xf32, #tpu.memory_space<vmem>>, vector<1x256xf32>
        %get3A_164 = arith.index_cast %while3A_157 : i32 to index
        %get3A_165 = arith.constant 0 : index
        %get3A_166 = vector.load %arg9[%get3A_164, %get3A_165] : memref<40x256xf32, #tpu.memory_space<vmem>>, vector<1x256xf32>
        %get3A_167 = arith.index_cast %while3A_157 : i32 to index
        %get3A_168 = arith.constant 0 : index
        %get3A_169 = vector.load %arg10[%get3A_167, %get3A_168] : memref<40x256xf32, #tpu.memory_space<vmem>>, vector<1x256xf32>
        %get3A_170 = arith.index_cast %while3A_157 : i32 to index
        %get3A_171 = arith.constant 0 : index
        %get3A_172 = vector.load %arg11[%get3A_170, %get3A_171] : memref<40x256xf32, #tpu.memory_space<vmem>>, vector<1x256xf32>
        %max3A_173 = vector.broadcast %reshape3A : vector<256x1xf32> to vector<256x256xf32>
        %max3A_174 = vector.broadcast %get3A_160 : vector<1x256xf32> to vector<256x256xf32>
        %max3A_175 = arith.maximumf %max3A_173, %max3A_174 : vector<256x256xf32>
        %max3A_176 = vector.broadcast %reshape3A_93 : vector<256x1xf32> to vector<256x256xf32>
        %max3A_177 = vector.broadcast %get3A_163 : vector<1x256xf32> to vector<256x256xf32>
        %max3A_178 = arith.maximumf %max3A_176, %max3A_177 : vector<256x256xf32>
        %min3A_179 = vector.broadcast %reshape3A_94 : vector<256x1xf32> to vector<256x256xf32>
        %min3A_180 = vector.broadcast %get3A_166 : vector<1x256xf32> to vector<256x256xf32>
        %min3A_181 = arith.minimumf %min3A_179, %min3A_180 : vector<256x256xf32>
        %min3A_182 = vector.broadcast %reshape3A_95 : vector<256x1xf32> to vector<256x256xf32>
        %min3A_183 = vector.broadcast %get3A_169 : vector<1x256xf32> to vector<256x256xf32>
        %min3A_184 = arith.minimumf %min3A_182, %min3A_183 : vector<256x256xf32>
        %sub3A_185 = arith.subf %min3A_181, %max3A_175 : vector<256x256xf32>
        %max3A_186 = arith.constant 0.000000e+00 : f32
        %max3A_187 = vector.broadcast %max3A_186 : f32 to vector<256x256xf32>
        %max3A_188 = arith.maximumf %sub3A_185, %max3A_187 : vector<256x256xf32>
        %sub3A_189 = arith.subf %min3A_184, %max3A_178 : vector<256x256xf32>
        %max3A_190 = arith.constant 0.000000e+00 : f32
        %max3A_191 = vector.broadcast %max3A_190 : f32 to vector<256x256xf32>
        %max3A_192 = arith.maximumf %sub3A_189, %max3A_191 : vector<256x256xf32>
        %mul3A_193 = arith.mulf %max3A_188, %max3A_192 : vector<256x256xf32>
        %add3A_194 = vector.broadcast %reshape3A_96 : vector<256x1xf32> to vector<256x256xf32>
        %add3A_195 = vector.broadcast %get3A_172 : vector<1x256xf32> to vector<256x256xf32>
        %add3A_196 = arith.addf %add3A_194, %add3A_195 : vector<256x256xf32>
        %sub3A_197 = arith.subf %add3A_196, %mul3A_193 : vector<256x256xf32>
        %add3A_198 = arith.constant 9.99999971E-10 : f32
        %add3A_199 = vector.broadcast %add3A_198 : f32 to vector<256x256xf32>
        %add3A_200 = arith.addf %sub3A_197, %add3A_199 : vector<256x256xf32>
        %div3A_201 = arith.divf %mul3A_193, %add3A_200 : vector<256x256xf32>
        %gt3A_202 = arith.constant 3.000000e-01 : f32
        %gt3A_203 = vector.broadcast %gt3A_202 : f32 to vector<256x256xf32>
        %gt3A_204 = arith.cmpf ogt, %div3A_201, %gt3A_203 : vector<256x256xf32>
        %jit3A_205 = arith.constant 0.000000e+00 : f32
        %broadcast_in_dim3A_206 = vector.shape_cast %reshape3A_145 : vector<256x1xf32> to vector<256x1xf32>
        %broadcast_in_dim3A_207 = vector.broadcast %broadcast_in_dim3A_206 : vector<256x1xf32> to vector<256x256xf32>
        %broadcast_in_dim3A_208 = vector.broadcast %jit3A_205 : f32 to vector<256x256xf32>
        %select_n3A_209 = arith.select %gt3A_204, %broadcast_in_dim3A_207, %broadcast_in_dim3A_208 : vector<256x256xi1>, vector<256x256xf32>
        %reduce_max3A = arith.constant dense<0xFF800000> : vector<256xf32>
        %reduce_max3A_210 = vector.multi_reduction <maximumf>, %select_n3A_209, %reduce_max3A [0] : vector<256x256xf32> to vector<256xf32>
        %broadcast_in_dim3A_211 = vector.shape_cast %reduce_max3A_210 : vector<256xf32> to vector<1x256xf32>
        %get3A_212 = arith.index_cast %while3A_157 : i32 to index
        %get3A_213 = arith.constant 0 : index
        %get3A_214 = vector.load %arg6[%get3A_212, %get3A_213] : memref<40x256xf32, #tpu.memory_space<vmem>>, vector<1x256xf32>
        %sub3A_215 = arith.constant 1.000000e+00 : f32
        %sub3A_216 = vector.broadcast %sub3A_215 : f32 to vector<1x256xf32>
        %sub3A_217 = arith.subf %sub3A_216, %broadcast_in_dim3A_211 : vector<1x256xf32>
        %mul3A_218 = arith.mulf %get3A_214, %sub3A_217 : vector<1x256xf32>
        %swap3A_219 = arith.index_cast %while3A_157 : i32 to index
        %swap3A_220 = arith.constant 0 : index
        %swap3A_221 = vector.load %arg6[%swap3A_219, %swap3A_220] : memref<40x256xf32, #tpu.memory_space<vmem>>, vector<1x256xf32>
        tpu.vector_store %arg6[%swap3A_219, %swap3A_220], %mul3A_218 {strides = array<i32>} : memref<40x256xf32, #tpu.memory_space<vmem>>, vector<1x256xf32>,
      }
      %while3A_156 = arith.constant 1 : i32
      scf.for %while3A_157 = %while3A_154 to %while3A_150 step %while3A_156  : i32 {
        %get3A_158 = arith.index_cast %while3A_157 : i32 to index
        %get3A_159 = arith.constant 0 : index
        %get3A_160 = vector.load %arg7[%get3A_158, %get3A_159] : memref<40x256xf32, #tpu.memory_space<vmem>>, vector<1x256xf32>
        %get3A_161 = arith.index_cast %while3A_157 : i32 to index
        %get3A_162 = arith.constant 0 : index
        %get3A_163 = vector.load %arg8[%get3A_161, %get3A_162] : memref<40x256xf32, #tpu.memory_space<vmem>>, vector<1x256xf32>
        %get3A_164 = arith.index_cast %while3A_157 : i32 to index
        %get3A_165 = arith.constant 0 : index
        %get3A_166 = vector.load %arg9[%get3A_164, %get3A_165] : memref<40x256xf32, #tpu.memory_space<vmem>>, vector<1x256xf32>
        %get3A_167 = arith.index_cast %while3A_157 : i32 to index
        %get3A_168 = arith.constant 0 : index
        %get3A_169 = vector.load %arg10[%get3A_167, %get3A_168] : memref<40x256xf32, #tpu.memory_space<vmem>>, vector<1x256xf32>
        %get3A_170 = arith.index_cast %while3A_157 : i32 to index
        %get3A_171 = arith.constant 0 : index
        %get3A_172 = vector.load %arg11[%get3A_170, %get3A_171] : memref<40x256xf32, #tpu.memory_space<vmem>>, vector<1x256xf32>
        %max3A_173 = vector.broadcast %reshape3A : vector<256x1xf32> to vector<256x256xf32>
        %max3A_174 = vector.broadcast %get3A_160 : vector<1x256xf32> to vector<256x256xf32>
        %max3A_175 = arith.maximumf %max3A_173, %max3A_174 : vector<256x256xf32>
        %max3A_176 = vector.broadcast %reshape3A_93 : vector<256x1xf32> to vector<256x256xf32>
        %max3A_177 = vector.broadcast %get3A_163 : vector<1x256xf32> to vector<256x256xf32>
        %max3A_178 = arith.maximumf %max3A_176, %max3A_177 : vector<256x256xf32>
        %min3A_179 = vector.broadcast %reshape3A_94 : vector<256x1xf32> to vector<256x256xf32>
        %min3A_180 = vector.broadcast %get3A_166 : vector<1x256xf32> to vector<256x256xf32>
        %min3A_181 = arith.minimumf %min3A_179, %min3A_180 : vector<256x256xf32>
        %min3A_182 = vector.broadcast %reshape3A_95 : vector<256x1xf32> to vector<256x256xf32>
        %min3A_183 = vector.broadcast %get3A_169 : vector<1x256xf32> to vector<256x256xf32>
        %min3A_184 = arith.minimumf %min3A_182, %min3A_183 : vector<256x256xf32>
        %sub3A_185 = arith.subf %min3A_181, %max3A_175 : vector<256x256xf32>
        %max3A_186 = arith.constant 0.000000e+00 : f32
        %max3A_187 = vector.broadcast %max3A_186 : f32 to vector<256x256xf32>
        %max3A_188 = arith.maximumf %sub3A_185, %max3A_187 : vector<256x256xf32>
        %sub3A_189 = arith.subf %min3A_184, %max3A_178 : vector<256x256xf32>
        %max3A_190 = arith.constant 0.000000e+00 : f32
        %max3A_191 = vector.broadcast %max3A_190 : f32 to vector<256x256xf32>
        %max3A_192 = arith.maximumf %sub3A_189, %max3A_191 : vector<256x256xf32>
        %mul3A_193 = arith.mulf %max3A_188, %max3A_192 : vector<256x256xf32>
        %add3A_194 = vector.broadcast %reshape3A_96 : vector<256x1xf32> to vector<256x256xf32>
        %add3A_195 = vector.broadcast %get3A_172 : vector<1x256xf32> to vector<256x256xf32>
        %add3A_196 = arith.addf %add3A_194, %add3A_195 : vector<256x256xf32>
        %sub3A_197 = arith.subf %add3A_196, %mul3A_193 : vector<256x256xf32>
        %add3A_198 = arith.constant 9.99999971E-10 : f32
        %add3A_199 = vector.broadcast %add3A_198 : f32 to vector<256x256xf32>
        %add3A_200 = arith.addf %sub3A_197, %add3A_199 : vector<256x256xf32>
        %div3A_201 = arith.divf %mul3A_193, %add3A_200 : vector<256x256xf32>
        %gt3A_202 = arith.constant 3.000000e-01 : f32
        %gt3A_203 = vector.broadcast %gt3A_202 : f32 to vector<256x256xf32>
        %gt3A_204 = arith.cmpf ogt, %div3A_201, %gt3A_203 : vector<256x256xf32>
        %jit3A_205 = arith.constant 0.000000e+00 : f32
        %broadcast_in_dim3A_206 = vector.shape_cast %reshape3A_145 : vector<256x1xf32> to vector<256x1xf32>
        %broadcast_in_dim3A_207 = vector.broadcast %broadcast_in_dim3A_206 : vector<256x1xf32> to vector<256x256xf32>
        %broadcast_in_dim3A_208 = vector.broadcast %jit3A_205 : f32 to vector<256x256xf32>
        %select_n3A_209 = arith.select %gt3A_204, %broadcast_in_dim3A_207, %broadcast_in_dim3A_208 : vector<256x256xi1>, vector<256x256xf32>
        %reduce_max3A = arith.constant dense<0xFF800000> : vector<256xf32>
        %reduce_max3A_210 = vector.multi_reduction <maximumf>, %select_n3A_209, %reduce_max3A [0] : vector<256x256xf32> to vector<256xf32>
        %broadcast_in_dim3A_211 = vector.shape_cast %reduce_max3A_210 : vector<256xf32> to vector<1x256xf32>
        %get3A_212 = arith.index_cast %while3A_157 : i32 to index
        %get3A_213 = arith.constant 0 : index
        %get3A_214 = vector.load %arg6[%get3A_212, %get3A_213] : memref<40x256xf32, #tpu.memory_space<vmem>>, vector<1x256xf32>
        %sub3A_215 = arith.constant 1.000000e+00 : f32
        %sub3A_216 = vector.broadcast %sub3A_215 : f32 to vector<1x256xf32>
        %sub3A_217 = arith.subf %sub3A_216, %broadcast_in_dim3A_211 : vector<1x256xf32>
        %mul3A_218 = arith.mulf %get3A_214, %sub3A_217 : vector<1x256xf32>
        %swap3A_219 = arith.index_cast %while3A_157 : i32 to index
        %swap3A_220 = arith.constant 0 : index
        %swap3A_221 = vector.load %arg6[%swap3A_219, %swap3A_220] : memref<40x256xf32, #tpu.memory_space<vmem>>, vector<1x256xf32>
        tpu.vector_store %arg6[%swap3A_219, %swap3A_220], %mul3A_218 {strides = array<i32>} : memref<40x256xf32, #tpu.memory_space<vmem>>, vector<1x256xf32>,
      }
    }
    %while3A_76 = arith.constant 1 : i32
    scf.for %while3A_77 = %while3A_74 to %while3A_70 step %while3A_76  : i32 {
      %get3A_78 = arith.index_cast %while3A_77 : i32 to index
      %get3A_79 = arith.constant 0 : index
      %get3A_80 = vector.load %arg7[%get3A_78, %get3A_79] : memref<40x256xf32, #tpu.memory_space<vmem>>, vector<1x256xf32>
      %get3A_81 = arith.index_cast %while3A_77 : i32 to index
      %get3A_82 = arith.constant 0 : index
      %get3A_83 = vector.load %arg8[%get3A_81, %get3A_82] : memref<40x256xf32, #tpu.memory_space<vmem>>, vector<1x256xf32>
      %get3A_84 = arith.index_cast %while3A_77 : i32 to index
      %get3A_85 = arith.constant 0 : index
      %get3A_86 = vector.load %arg9[%get3A_84, %get3A_85] : memref<40x256xf32, #tpu.memory_space<vmem>>, vector<1x256xf32>
      %get3A_87 = arith.index_cast %while3A_77 : i32 to index
      %get3A_88 = arith.constant 0 : index
      %get3A_89 = vector.load %arg10[%get3A_87, %get3A_88] : memref<40x256xf32, #tpu.memory_space<vmem>>, vector<1x256xf32>
      %get3A_90 = arith.index_cast %while3A_77 : i32 to index
      %get3A_91 = arith.constant 0 : index
      %get3A_92 = vector.load %arg11[%get3A_90, %get3A_91] : memref<40x256xf32, #tpu.memory_space<vmem>>, vector<1x256xf32>
      %reshape3A = vector.shape_cast %get3A_80 : vector<1x256xf32> to vector<256x1xf32>
      %reshape3A_93 = vector.shape_cast %get3A_83 : vector<1x256xf32> to vector<256x1xf32>
      %reshape3A_94 = vector.shape_cast %get3A_86 : vector<1x256xf32> to vector<256x1xf32>
      %reshape3A_95 = vector.shape_cast %get3A_89 : vector<1x256xf32> to vector<256x1xf32>
      %reshape3A_96 = vector.shape_cast %get3A_92 : vector<1x256xf32> to vector<256x1xf32>
      %max3A = vector.broadcast %reshape3A : vector<256x1xf32> to vector<256x256xf32>
      %max3A_97 = vector.broadcast %get3A_80 : vector<1x256xf32> to vector<256x256xf32>
      %max3A_98 = arith.maximumf %max3A, %max3A_97 : vector<256x256xf32>
      %max3A_99 = vector.broadcast %reshape3A_93 : vector<256x1xf32> to vector<256x256xf32>
      %max3A_100 = vector.broadcast %get3A_83 : vector<1x256xf32> to vector<256x256xf32>
      %max3A_101 = arith.maximumf %max3A_99, %max3A_100 : vector<256x256xf32>
      %min3A_102 = vector.broadcast %reshape3A_94 : vector<256x1xf32> to vector<256x256xf32>
      %min3A_103 = vector.broadcast %get3A_86 : vector<1x256xf32> to vector<256x256xf32>
      %min3A_104 = arith.minimumf %min3A_102, %min3A_103 : vector<256x256xf32>
      %min3A_105 = vector.broadcast %reshape3A_95 : vector<256x1xf32> to vector<256x256xf32>
      %min3A_106 = vector.broadcast %get3A_89 : vector<1x256xf32> to vector<256x256xf32>
      %min3A_107 = arith.minimumf %min3A_105, %min3A_106 : vector<256x256xf32>
      %sub3A_108 = arith.subf %min3A_104, %max3A_98 : vector<256x256xf32>
      %max3A_109 = arith.constant 0.000000e+00 : f32
      %max3A_110 = vector.broadcast %max3A_109 : f32 to vector<256x256xf32>
      %max3A_111 = arith.maximumf %sub3A_108, %max3A_110 : vector<256x256xf32>
      %sub3A_112 = arith.subf %min3A_107, %max3A_101 : vector<256x256xf32>
      %max3A_113 = arith.constant 0.000000e+00 : f32
      %max3A_114 = vector.broadcast %max3A_113 : f32 to vector<256x256xf32>
      %max3A_115 = arith.maximumf %sub3A_112, %max3A_114 : vector<256x256xf32>
      %mul3A_116 = arith.mulf %max3A_111, %max3A_115 : vector<256x256xf32>
      %add3A_117 = vector.broadcast %reshape3A_96 : vector<256x1xf32> to vector<256x256xf32>
      %add3A_118 = vector.broadcast %get3A_92 : vector<1x256xf32> to vector<256x256xf32>
      %add3A_119 = arith.addf %add3A_117, %add3A_118 : vector<256x256xf32>
      %sub3A_120 = arith.subf %add3A_119, %mul3A_116 : vector<256x256xf32>
      %add3A_121 = arith.constant 9.99999971E-10 : f32
      %add3A_122 = vector.broadcast %add3A_121 : f32 to vector<256x256xf32>
      %add3A_123 = arith.addf %sub3A_120, %add3A_122 : vector<256x256xf32>
      %div3A_124 = arith.divf %mul3A_116, %add3A_123 : vector<256x256xf32>
      %gt3A = arith.constant 3.000000e-01 : f32
      %gt3A_125 = vector.broadcast %gt3A : f32 to vector<256x256xf32>
      %gt3A_126 = arith.cmpf ogt, %div3A_124, %gt3A_125 : vector<256x256xf32>
      %gt3A_127 = arith.cmpi sgt, %iota3A_67, %iota3A : vector<256x256xi32>
      %and3A_128 = arith.andi %gt3A_126, %gt3A_127 : vector<256x256xi1>
      %jit3A_129 = arith.constant 1.000000e+00 : f32
      %jit3A_130 = arith.constant 0.000000e+00 : f32
      %broadcast_in_dim3A = vector.broadcast %jit3A_129 : f32 to vector<256x256xf32>
      %broadcast_in_dim3A_131 = vector.broadcast %jit3A_130 : f32 to vector<256x256xf32>
      %select_n3A_132 = arith.select %and3A_128, %broadcast_in_dim3A, %broadcast_in_dim3A_131 : vector<256x256xi1>, vector<256x256xf32>
      %swap3A_133 = arith.constant 0 : index
      %swap3A_134 = arith.constant 0 : index
      %swap3A_135 = vector.load %arg12[%swap3A_133, %swap3A_134] : memref<256x256xf32, #tpu.memory_space<vmem>>, vector<256x256xf32>
      tpu.vector_store %arg12[%swap3A_133, %swap3A_134], %select_n3A_132 {strides = array<i32>} : memref<256x256xf32, #tpu.memory_space<vmem>>, vector<256x256xf32>,
      %get3A_136 = arith.index_cast %while3A_77 : i32 to index
      %get3A_137 = arith.constant 0 : index
      %get3A_138 = vector.load %arg6[%get3A_136, %get3A_137] : memref<40x256xf32, #tpu.memory_space<vmem>>, vector<1x256xf32>
      %broadcast_in_dim3A_139 = arith.constant 0.000000e+00 : f32
      %broadcast_in_dim3A_140 = vector.broadcast %broadcast_in_dim3A_139 : f32 to vector<1x256xf32>
      %while3A_141:2 = scf.while (%while3A_157 = %broadcast_in_dim3A_140, %while3A_158 = %get3A_138) : (vector<1x256xf32>, vector<1x256xf32>) -> (vector<1x256xf32>, vector<1x256xf32>) {
        %reduce_sum3A_159 = vector.shape_cast %while3A_158 : vector<1x256xf32> to vector<1x1x256xf32>
        %reduce_sum3A_160 = arith.constant dense<0.000000e+00> : vector<1xf32>
        %reduce_sum3A_161 = vector.multi_reduction <add>, %reduce_sum3A_159, %reduce_sum3A_160 [1, 2] : vector<1x1x256xf32> to vector<1xf32>
        %reduce_sum3A_162 = vector.shape_cast %reduce_sum3A_161 : vector<1xf32> to vector<1x1x1xf32>
        %reduce_sum3A_163 = vector.extract %reduce_sum3A_162[0, 0, 0] : f32 from vector<1x1x1xf32>
        %gt3A_164 = arith.constant 0.000000e+00 : f32
        %gt3A_165 = arith.cmpf ogt, %reduce_sum3A_163, %gt3A_164 : f32
        scf.condition(%gt3A_165) %while3A_157, %while3A_158 : vector<1x256xf32>, vector<1x256xf32>
      } do {
      ^bb0(%while3A_157: vector<1x256xf32>, %while3A_158: vector<1x256xf32>):
        %get3A_159 = arith.constant 0 : index
        %get3A_160 = arith.constant 0 : index
        %get3A_161 = vector.load %arg12[%get3A_159, %get3A_160] : memref<256x256xf32, #tpu.memory_space<vmem>>, vector<256x256xf32>
        %add3A_162 = arith.addf %while3A_157, %while3A_158 : vector<1x256xf32>
        %reshape3A_163 = vector.shape_cast %add3A_162 : vector<1x256xf32> to vector<256x1xf32>
        %mul3A_164 = vector.broadcast %reshape3A_163 : vector<256x1xf32> to vector<256x256xf32>
        %mul3A_165 = arith.mulf %get3A_161, %mul3A_164 : vector<256x256xf32>
        %reduce_max3A = arith.constant dense<0xFF800000> : vector<256xf32>
        %reduce_max3A_166 = vector.multi_reduction <maximumf>, %mul3A_165, %reduce_max3A [0] : vector<256x256xf32> to vector<256xf32>
        %broadcast_in_dim3A_167 = vector.shape_cast %reduce_max3A_166 : vector<256xf32> to vector<1x256xf32>
        %sub3A_168 = arith.constant 1.000000e+00 : f32
        %sub3A_169 = vector.broadcast %sub3A_168 : f32 to vector<1x256xf32>
        %sub3A_170 = arith.subf %sub3A_169, %broadcast_in_dim3A_167 : vector<1x256xf32>
        %mul3A_171 = arith.mulf %while3A_158, %sub3A_170 : vector<1x256xf32>
        %add3A_172 = arith.addf %while3A_157, %mul3A_171 : vector<1x256xf32>
        %reshape3A_173 = vector.shape_cast %add3A_172 : vector<1x256xf32> to vector<256x1xf32>
        %mul3A_174 = vector.broadcast %reshape3A_173 : vector<256x1xf32> to vector<256x256xf32>
        %mul3A_175 = arith.mulf %get3A_161, %mul3A_174 : vector<256x256xf32>
        %reduce_max3A_176 = arith.constant dense<0xFF800000> : vector<256xf32>
        %reduce_max3A_177 = vector.multi_reduction <maximumf>, %mul3A_175, %reduce_max3A_176 [0] : vector<256x256xf32> to vector<256xf32>
        %broadcast_in_dim3A_178 = vector.shape_cast %reduce_max3A_177 : vector<256xf32> to vector<1x256xf32>
        %sub3A_179 = arith.constant 1.000000e+00 : f32
        %sub3A_180 = vector.broadcast %sub3A_179 : f32 to vector<1x256xf32>
        %sub3A_181 = arith.subf %sub3A_180, %mul3A_171 : vector<1x256xf32>
        %mul3A_182 = arith.mulf %while3A_158, %sub3A_181 : vector<1x256xf32>
        %sub3A_183 = arith.constant 1.000000e+00 : f32
        %sub3A_184 = vector.broadcast %sub3A_183 : f32 to vector<1x256xf32>
        %sub3A_185 = arith.subf %sub3A_184, %broadcast_in_dim3A_178 : vector<1x256xf32>
        %mul3A_186 = arith.mulf %mul3A_182, %sub3A_185 : vector<1x256xf32>
        scf.yield %add3A_172, %mul3A_186 : vector<1x256xf32>, vector<1x256xf32>
      }
      %swap3A_142 = arith.index_cast %while3A_77 : i32 to index
      %swap3A_143 = arith.constant 0 : index
      %swap3A_144 = vector.load %arg6[%swap3A_142, %swap3A_143] : memref<40x256xf32, #tpu.memory_space<vmem>>, vector<1x256xf32>
      tpu.vector_store %arg6[%swap3A_142, %swap3A_143], %while3A_141#0 {strides = array<i32>} : memref<40x256xf32, #tpu.memory_space<vmem>>, vector<1x256xf32>,
      %reshape3A_145 = vector.shape_cast %while3A_141#0 : vector<1x256xf32> to vector<256x1xf32>
      %add3A_146 = arith.constant 1 : i32
      %add3A_147 = arith.addi %while3A_77, %add3A_146 : i32
      %while3A_148 = arith.constant 0 : i32
      %while3A_149 = arith.subi %min3A_66, %add3A_147 : i32
      %while3A_150 = arith.addi %add3A_147, %while3A_149 : i32
      %while3A_151 = arith.constant 1 : i32
      %while3A_152 = arith.divsi %while3A_149, %while3A_151 : i32
      %while3A_153 = arith.muli %while3A_152, %while3A_151 : i32
      %while3A_154 = arith.addi %add3A_147, %while3A_153 : i32
      %while3A_155 = arith.constant 1 : i32
      scf.for %while3A_157 = %add3A_147 to %while3A_154 step %while3A_155  : i32 {
        %get3A_158 = arith.index_cast %while3A_157 : i32 to index
        %get3A_159 = arith.constant 0 : index
        %get3A_160 = vector.load %arg7[%get3A_158, %get3A_159] : memref<40x256xf32, #tpu.memory_space<vmem>>, vector<1x256xf32>
        %get3A_161 = arith.index_cast %while3A_157 : i32 to index
        %get3A_162 = arith.constant 0 : index
        %get3A_163 = vector.load %arg8[%get3A_161, %get3A_162] : memref<40x256xf32, #tpu.memory_space<vmem>>, vector<1x256xf32>
        %get3A_164 = arith.index_cast %while3A_157 : i32 to index
        %get3A_165 = arith.constant 0 : index
        %get3A_166 = vector.load %arg9[%get3A_164, %get3A_165] : memref<40x256xf32, #tpu.memory_space<vmem>>, vector<1x256xf32>
        %get3A_167 = arith.index_cast %while3A_157 : i32 to index
        %get3A_168 = arith.constant 0 : index
        %get3A_169 = vector.load %arg10[%get3A_167, %get3A_168] : memref<40x256xf32, #tpu.memory_space<vmem>>, vector<1x256xf32>
        %get3A_170 = arith.index_cast %while3A_157 : i32 to index
        %get3A_171 = arith.constant 0 : index
        %get3A_172 = vector.load %arg11[%get3A_170, %get3A_171] : memref<40x256xf32, #tpu.memory_space<vmem>>, vector<1x256xf32>
        %max3A_173 = vector.broadcast %reshape3A : vector<256x1xf32> to vector<256x256xf32>
        %max3A_174 = vector.broadcast %get3A_160 : vector<1x256xf32> to vector<256x256xf32>
        %max3A_175 = arith.maximumf %max3A_173, %max3A_174 : vector<256x256xf32>
        %max3A_176 = vector.broadcast %reshape3A_93 : vector<256x1xf32> to vector<256x256xf32>
        %max3A_177 = vector.broadcast %get3A_163 : vector<1x256xf32> to vector<256x256xf32>
        %max3A_178 = arith.maximumf %max3A_176, %max3A_177 : vector<256x256xf32>
        %min3A_179 = vector.broadcast %reshape3A_94 : vector<256x1xf32> to vector<256x256xf32>
        %min3A_180 = vector.broadcast %get3A_166 : vector<1x256xf32> to vector<256x256xf32>
        %min3A_181 = arith.minimumf %min3A_179, %min3A_180 : vector<256x256xf32>
        %min3A_182 = vector.broadcast %reshape3A_95 : vector<256x1xf32> to vector<256x256xf32>
        %min3A_183 = vector.broadcast %get3A_169 : vector<1x256xf32> to vector<256x256xf32>
        %min3A_184 = arith.minimumf %min3A_182, %min3A_183 : vector<256x256xf32>
        %sub3A_185 = arith.subf %min3A_181, %max3A_175 : vector<256x256xf32>
        %max3A_186 = arith.constant 0.000000e+00 : f32
        %max3A_187 = vector.broadcast %max3A_186 : f32 to vector<256x256xf32>
        %max3A_188 = arith.maximumf %sub3A_185, %max3A_187 : vector<256x256xf32>
        %sub3A_189 = arith.subf %min3A_184, %max3A_178 : vector<256x256xf32>
        %max3A_190 = arith.constant 0.000000e+00 : f32
        %max3A_191 = vector.broadcast %max3A_190 : f32 to vector<256x256xf32>
        %max3A_192 = arith.maximumf %sub3A_189, %max3A_191 : vector<256x256xf32>
        %mul3A_193 = arith.mulf %max3A_188, %max3A_192 : vector<256x256xf32>
        %add3A_194 = vector.broadcast %reshape3A_96 : vector<256x1xf32> to vector<256x256xf32>
        %add3A_195 = vector.broadcast %get3A_172 : vector<1x256xf32> to vector<256x256xf32>
        %add3A_196 = arith.addf %add3A_194, %add3A_195 : vector<256x256xf32>
        %sub3A_197 = arith.subf %add3A_196, %mul3A_193 : vector<256x256xf32>
        %add3A_198 = arith.constant 9.99999971E-10 : f32
        %add3A_199 = vector.broadcast %add3A_198 : f32 to vector<256x256xf32>
        %add3A_200 = arith.addf %sub3A_197, %add3A_199 : vector<256x256xf32>
        %div3A_201 = arith.divf %mul3A_193, %add3A_200 : vector<256x256xf32>
        %gt3A_202 = arith.constant 3.000000e-01 : f32
        %gt3A_203 = vector.broadcast %gt3A_202 : f32 to vector<256x256xf32>
        %gt3A_204 = arith.cmpf ogt, %div3A_201, %gt3A_203 : vector<256x256xf32>
        %jit3A_205 = arith.constant 0.000000e+00 : f32
        %broadcast_in_dim3A_206 = vector.shape_cast %reshape3A_145 : vector<256x1xf32> to vector<256x1xf32>
        %broadcast_in_dim3A_207 = vector.broadcast %broadcast_in_dim3A_206 : vector<256x1xf32> to vector<256x256xf32>
        %broadcast_in_dim3A_208 = vector.broadcast %jit3A_205 : f32 to vector<256x256xf32>
        %select_n3A_209 = arith.select %gt3A_204, %broadcast_in_dim3A_207, %broadcast_in_dim3A_208 : vector<256x256xi1>, vector<256x256xf32>
        %reduce_max3A = arith.constant dense<0xFF800000> : vector<256xf32>
        %reduce_max3A_210 = vector.multi_reduction <maximumf>, %select_n3A_209, %reduce_max3A [0] : vector<256x256xf32> to vector<256xf32>
        %broadcast_in_dim3A_211 = vector.shape_cast %reduce_max3A_210 : vector<256xf32> to vector<1x256xf32>
        %get3A_212 = arith.index_cast %while3A_157 : i32 to index
        %get3A_213 = arith.constant 0 : index
        %get3A_214 = vector.load %arg6[%get3A_212, %get3A_213] : memref<40x256xf32, #tpu.memory_space<vmem>>, vector<1x256xf32>
        %sub3A_215 = arith.constant 1.000000e+00 : f32
        %sub3A_216 = vector.broadcast %sub3A_215 : f32 to vector<1x256xf32>
        %sub3A_217 = arith.subf %sub3A_216, %broadcast_in_dim3A_211 : vector<1x256xf32>
        %mul3A_218 = arith.mulf %get3A_214, %sub3A_217 : vector<1x256xf32>
        %swap3A_219 = arith.index_cast %while3A_157 : i32 to index
        %swap3A_220 = arith.constant 0 : index
        %swap3A_221 = vector.load %arg6[%swap3A_219, %swap3A_220] : memref<40x256xf32, #tpu.memory_space<vmem>>, vector<1x256xf32>
        tpu.vector_store %arg6[%swap3A_219, %swap3A_220], %mul3A_218 {strides = array<i32>} : memref<40x256xf32, #tpu.memory_space<vmem>>, vector<1x256xf32>,
      }
      %while3A_156 = arith.constant 1 : i32
      scf.for %while3A_157 = %while3A_154 to %while3A_150 step %while3A_156  : i32 {
        %get3A_158 = arith.index_cast %while3A_157 : i32 to index
        %get3A_159 = arith.constant 0 : index
        %get3A_160 = vector.load %arg7[%get3A_158, %get3A_159] : memref<40x256xf32, #tpu.memory_space<vmem>>, vector<1x256xf32>
        %get3A_161 = arith.index_cast %while3A_157 : i32 to index
        %get3A_162 = arith.constant 0 : index
        %get3A_163 = vector.load %arg8[%get3A_161, %get3A_162] : memref<40x256xf32, #tpu.memory_space<vmem>>, vector<1x256xf32>
        %get3A_164 = arith.index_cast %while3A_157 : i32 to index
        %get3A_165 = arith.constant 0 : index
        %get3A_166 = vector.load %arg9[%get3A_164, %get3A_165] : memref<40x256xf32, #tpu.memory_space<vmem>>, vector<1x256xf32>
        %get3A_167 = arith.index_cast %while3A_157 : i32 to index
        %get3A_168 = arith.constant 0 : index
        %get3A_169 = vector.load %arg10[%get3A_167, %get3A_168] : memref<40x256xf32, #tpu.memory_space<vmem>>, vector<1x256xf32>
        %get3A_170 = arith.index_cast %while3A_157 : i32 to index
        %get3A_171 = arith.constant 0 : index
        %get3A_172 = vector.load %arg11[%get3A_170, %get3A_171] : memref<40x256xf32, #tpu.memory_space<vmem>>, vector<1x256xf32>
        %max3A_173 = vector.broadcast %reshape3A : vector<256x1xf32> to vector<256x256xf32>
        %max3A_174 = vector.broadcast %get3A_160 : vector<1x256xf32> to vector<256x256xf32>
        %max3A_175 = arith.maximumf %max3A_173, %max3A_174 : vector<256x256xf32>
        %max3A_176 = vector.broadcast %reshape3A_93 : vector<256x1xf32> to vector<256x256xf32>
        %max3A_177 = vector.broadcast %get3A_163 : vector<1x256xf32> to vector<256x256xf32>
        %max3A_178 = arith.maximumf %max3A_176, %max3A_177 : vector<256x256xf32>
        %min3A_179 = vector.broadcast %reshape3A_94 : vector<256x1xf32> to vector<256x256xf32>
        %min3A_180 = vector.broadcast %get3A_166 : vector<1x256xf32> to vector<256x256xf32>
        %min3A_181 = arith.minimumf %min3A_179, %min3A_180 : vector<256x256xf32>
        %min3A_182 = vector.broadcast %reshape3A_95 : vector<256x1xf32> to vector<256x256xf32>
        %min3A_183 = vector.broadcast %get3A_169 : vector<1x256xf32> to vector<256x256xf32>
        %min3A_184 = arith.minimumf %min3A_182, %min3A_183 : vector<256x256xf32>
        %sub3A_185 = arith.subf %min3A_181, %max3A_175 : vector<256x256xf32>
        %max3A_186 = arith.constant 0.000000e+00 : f32
        %max3A_187 = vector.broadcast %max3A_186 : f32 to vector<256x256xf32>
        %max3A_188 = arith.maximumf %sub3A_185, %max3A_187 : vector<256x256xf32>
        %sub3A_189 = arith.subf %min3A_184, %max3A_178 : vector<256x256xf32>
        %max3A_190 = arith.constant 0.000000e+00 : f32
        %max3A_191 = vector.broadcast %max3A_190 : f32 to vector<256x256xf32>
        %max3A_192 = arith.maximumf %sub3A_189, %max3A_191 : vector<256x256xf32>
        %mul3A_193 = arith.mulf %max3A_188, %max3A_192 : vector<256x256xf32>
        %add3A_194 = vector.broadcast %reshape3A_96 : vector<256x1xf32> to vector<256x256xf32>
        %add3A_195 = vector.broadcast %get3A_172 : vector<1x256xf32> to vector<256x256xf32>
        %add3A_196 = arith.addf %add3A_194, %add3A_195 : vector<256x256xf32>
        %sub3A_197 = arith.subf %add3A_196, %mul3A_193 : vector<256x256xf32>
        %add3A_198 = arith.constant 9.99999971E-10 : f32
        %add3A_199 = vector.broadcast %add3A_198 : f32 to vector<256x256xf32>
        %add3A_200 = arith.addf %sub3A_197, %add3A_199 : vector<256x256xf32>
        %div3A_201 = arith.divf %mul3A_193, %add3A_200 : vector<256x256xf32>
        %gt3A_202 = arith.constant 3.000000e-01 : f32
        %gt3A_203 = vector.broadcast %gt3A_202 : f32 to vector<256x256xf32>
        %gt3A_204 = arith.cmpf ogt, %div3A_201, %gt3A_203 : vector<256x256xf32>
        %jit3A_205 = arith.constant 0.000000e+00 : f32
        %broadcast_in_dim3A_206 = vector.shape_cast %reshape3A_145 : vector<256x1xf32> to vector<256x1xf32>
        %broadcast_in_dim3A_207 = vector.broadcast %broadcast_in_dim3A_206 : vector<256x1xf32> to vector<256x256xf32>
        %broadcast_in_dim3A_208 = vector.broadcast %jit3A_205 : f32 to vector<256x256xf32>
        %select_n3A_209 = arith.select %gt3A_204, %broadcast_in_dim3A_207, %broadcast_in_dim3A_208 : vector<256x256xi1>, vector<256x256xf32>
        %reduce_max3A = arith.constant dense<0xFF800000> : vector<256xf32>
        %reduce_max3A_210 = vector.multi_reduction <maximumf>, %select_n3A_209, %reduce_max3A [0] : vector<256x256xf32> to vector<256xf32>
        %broadcast_in_dim3A_211 = vector.shape_cast %reduce_max3A_210 : vector<256xf32> to vector<1x256xf32>
        %get3A_212 = arith.index_cast %while3A_157 : i32 to index
        %get3A_213 = arith.constant 0 : index
        %get3A_214 = vector.load %arg6[%get3A_212, %get3A_213] : memref<40x256xf32, #tpu.memory_space<vmem>>, vector<1x256xf32>
        %sub3A_215 = arith.constant 1.000000e+00 : f32
        %sub3A_216 = vector.broadcast %sub3A_215 : f32 to vector<1x256xf32>
        %sub3A_217 = arith.subf %sub3A_216, %broadcast_in_dim3A_211 : vector<1x256xf32>
        %mul3A_218 = arith.mulf %get3A_214, %sub3A_217 : vector<1x256xf32>
        %swap3A_219 = arith.index_cast %while3A_157 : i32 to index
        %swap3A_220 = arith.constant 0 : index
        %swap3A_221 = vector.load %arg6[%swap3A_219, %swap3A_220] : memref<40x256xf32, #tpu.memory_space<vmem>>, vector<1x256xf32>
        tpu.vector_store %arg6[%swap3A_219, %swap3A_220], %mul3A_218 {strides = array<i32>} : memref<40x256xf32, #tpu.memory_space<vmem>>, vector<1x256xf32>,
      }
    }
    return
  }
}

</mosaic_0001>

<sc_bundles>
// kernel: kernel.5.cloned.1.call-start
scs
__scs_entry_jumppad:
0x0: {  	(pc) =	sbr.rel $0x88, $3  }
0x1: {  	(tag) =	ssettag $0x0;
	lr =	simm.s32 $0x1  }
0x2: {  	[smem:$0x3F9E] =	sst lr;
	_ =	strace $0xD0000000  }
0x3: {  	_ = 	snop  }
0x4: {  	_ = 	snop  }
0x5: {  	_ = 	snop  }
0x6: {  	_ = 	snop  }
0x7: {  	_ = 	snop  }
__scs_overlays_trampoline_lowered:
0x8: {  	[smem:$0x3FAD] =	sst s0  }
0x9: {  	[smem:$0x3FAE] =	sst s1  }
0xa: {  	[smem:$0x3FAF] =	sst s2  }
0xb: {  	[smem:$0x3FB0] =	sst s3  }
0xc: {  	[smem:$0x3FB1] =	sst s4  }
0xd: {  	[smem:$0x3FB2] =	sst s5  }
0xe: {  	[smem:$0x3FB3] =	sst s6  }
0xf: {  	[smem:$0x3FB4] =	sst s7  }
0x10: {  	[smem:$0x3FB5] =	sst s8  }
0x11: {  	[smem:$0x3FB6] =	sst s9;
	s0 =	simm.s32 @!p0 $0x0  }
0x12: {  	s1 =	sld [smem:$0x3F9C];
	s0 =	simm.s32 @p0 $0x1  }
0x13: {  	[smem:$0x3FB7] =	sst s0;
	s0 =	simm.s32 @!p1 $0x0  }
0x14: {  	s2 =	sld [smem:$0x3F9B];
	s0 =	simm.s32 @p1 $0x1  }
0x15: {  	[smem:$0x3FB8] =	sst s0;
	s0 =	simm.s32 @!p2 $0x0  }
0x16: {  	s3 =	sld [smem:$0x3FDB];
	s0 =	simm.s32 @p2 $0x1  }
0x17: {  	s4 =	simm.s32 $0x1BF5;
	[smem:$0x3FBA] =	sst s0  }
0x18: {  	s0 =	sld [smem:$0x3F9D];
	_ =	swait.ge [sflag:s4], $0x0  }
0x19: {  	s7 =	sld [smem:$0x3F9E]  }
0x1a: {  	s8 =	sadd.s32 $0xFFFFE003, lr  }
0x1b: {  	s9 =	sadd.s32 $0xFFFFFEF7, lr;
	s5 =	simm.s32 $0xFFFFFFFF;
	p2 =	slt.u32 s8, $0xFFFFF086  }
0x1c: {  	p1 =	slt.u32 s9, $0xF7A;
	s5 =	simm.s32 @!p2 $0x0  }
0x1d: {  	s5 =	simm.s32 @p1 $0x1;
	p0 =	seq.s32 s7, s2  }
0x1e: {  	s7 =	smul.u32 @!p0 $0xF7A, s2;
	p2 =	seq.s32 @!p0 s5, $0x0  }
0x1f: {  	s9 =	smul.u32 $0xF7A, s1;
	s8 =	simm.s32 @!p0 $0x1BF5;
	p2 =	por !p2, p0  }
0x20: {  	[sflag:s8] =	ssyncset.s32 @!p0 $0xFFFFF086;
	s6 =	sadd.s32 @!p0 s3, s7;
	s7 =	simm.s32 @!p0 $0x108  }
0x21: {  	s3 =	sadd.s32 s3, s9;
	s6 =	sadd.s32 @!p0 $0x88, s6;
	s7 =	simm.s32 @p2 $0x1082  }
0x22: {  	[simem:s7], [sflag:s8] =	dma.local @!p0 [hbm:s6], $0xF7A  }
0x23: {  	s9 =	sor.u32 $0xD0000000, s2;
	s6 =	simm.s32 $0x108;
	_ =	swait.ge @!p0 [sflag:s8], $0x0  }
0x24: {  	s3 =	sadd.s32 $0x88, s3;
	s6 =	simm.s32 @!p1 $0x1082;
	[sflag:s4] =	ssyncset.s32 $0xFFFFF086  }
0x25: {  	[simem:s6], [sflag:s4] =	dma.local [hbm:s3], $0xF7A  }
0x26: {  	[smem:$0x3F9E] =	sst s1;
	(tag) =	ssettag s2;
	_ =	strace s9  }
0x27: {  	s1 =	sld [smem:$0x3FAE]  }
0x28: {  	s2 =	sld [smem:$0x3FAF]  }
0x29: {  	s4 =	sld [smem:$0x3FB1]  }
0x2a: {  	p0 =	seq.s32 s5, $0x0;
	s5 =	sld [smem:$0x3FB2]  }
0x2b: {  	s6 =	sld [smem:$0x3FB3]  }
0x2c: {  	s7 =	sld [smem:$0x3FB4]  }
0x2d: {  	s3 =	simm.s32 $0x108;
	s8 =	sld [smem:$0x3FB5]  }
0x2e: {  	s3 =	simm.s32 @!p0 $0x1082;
	s9 =	sld [smem:$0x3FB6]  }
0x2f: {  	lr =	sadd.s32 s0, s3;
	s0 =	sld [smem:$0x3FAD]  }
0x30: {  	s3 =	sld [smem:$0x3FB0]  }
0x31: {  	[smem:$0x3FB9] =	sst s10  }
0x32: {  	s10 =	sld [smem:$0x3FB7];
	_ =	sdelay $0x3  }
0x33: {  	p0 =	seq.s32 s10, $0x1;
	s10 =	sld [smem:$0x3FB9];
	_ =	sdelay $0x3  }
0x34: {  	[smem:$0x3FB9] =	sst s10  }
0x35: {  	s10 =	sld [smem:$0x3FB8];
	_ =	sdelay $0x3  }
0x36: {  	p1 =	seq.s32 s10, $0x1;
	s10 =	sld [smem:$0x3FB9];
	_ =	sdelay $0x3  }
0x37: {  	[smem:$0x3FB9] =	sst s10  }
0x38: {  	s10 =	sld [smem:$0x3FBA]  }
0x39: {  	_ = 	snop;
	(pc) =	sbr.ind lr, $3  }
0x3a: {  	_ = 	snop  }
0x3b: {  	_ = 	snop  }
0x3c: {  	p2 =	seq.s32 s10, $0x1;
	s10 =	sld [smem:$0x3FB9]  }
0x3d: {  	_ =	shalt  }
0x3e: {  	_ =	shalt  }
0x3f: {  	_ =	shalt  }
0x40: {  	_ =	shalt  }
0x41: {  	_ =	shalt  }
0x42: {  	_ =	shalt  }
0x43: {  	_ =	shalt  }
0x44: {  	_ =	shalt  }
0x45: {  	_ =	shalt  }
0x46: {  	_ =	shalt  }
0x47: {  	_ =	shalt  }
0x48: {  	_ =	shalt  }
0x49: {  	_ =	shalt  }
0x4a: {  	_ =	shalt  }
0x4b: {  	_ =	shalt  }
0x4c: {  	_ =	shalt  }
0x4d: {  	_ =	shalt  }
0x4e: {  	_ =	shalt  }
0x4f: {  	_ =	shalt  }
0x50: {  	_ =	shalt  }
0x51: {  	_ =	shalt  }
0x52: {  	_ =	shalt  }
0x53: {  	_ =	shalt  }
0x54: {  	_ =	shalt  }
0x55: {  	_ =	shalt  }
0x56: {  	_ =	shalt  }
0x57: {  	_ =	shalt  }
0x58: {  	_ =	shalt  }
0x59: {  	_ =	shalt  }
0x5a: {  	_ =	shalt  }
0x5b: {  	_ =	shalt  }
0x5c: {  	_ =	shalt  }
0x5d: {  	_ =	shalt  }
0x5e: {  	_ =	shalt  }
0x5f: {  	_ =	shalt  }
0x60: {  	_ =	shalt  }
0x61: {  	_ =	shalt  }
0x62: {  	_ =	shalt  }
0x63: {  	_ =	shalt  }
0x64: {  	_ =	shalt  }
0x65: {  	_ =	shalt  }
0x66: {  	_ =	shalt  }
0x67: {  	_ =	shalt  }
0x68: {  	_ =	shalt  }
0x69: {  	_ =	shalt  }
0x6a: {  	_ =	shalt  }
0x6b: {  	_ =	shalt  }
0x6c: {  	_ =	shalt  }
0x6d: {  	_ =	shalt  }
0x6e: {  	_ =	shalt  }
0x6f: {  	_ =	shalt  }
0x70: {  	_ =	shalt  }
0x71: {  	_ =	shalt  }
0x72: {  	_ =	shalt  }
0x73: {  	_ =	shalt  }
0x74: {  	_ =	shalt  }
0x75: {  	_ =	shalt  }
0x76: {  	_ =	shalt  }
0x77: {  	_ =	shalt  }
0x78: {  	_ =	shalt  }
0x79: {  	_ =	shalt  }
0x7a: {  	_ =	shalt  }
0x7b: {  	_ =	shalt  }
0x7c: {  	_ =	shalt  }
0x7d: {  	_ =	shalt  }
0x7e: {  	_ =	shalt  }
0x7f: {  	_ =	shalt  }
0x80: {  	_ =	shalt  }
0x81: {  	_ =	shalt  }
0x82: {  	_ =	shalt  }
0x83: {  	_ =	shalt  }
0x84: {  	_ =	shalt  }
0x85: {  	_ =	shalt  }
0x86: {  	_ =	shalt  }
0x87: {  	_ =	shalt  }
.Lfunc_end0:
.L_simem_size_0:
called_computation_lowered:
.L_overlay_start_0:
0x88: {  	s2 =	sld [smem:$0x3FD9]  }
0x89: {  	s3 =	sld [smem:$0x3FFE];
	_ =	sdelay $0x1  }
0x8a: {  	s1 =	srdreg.scid  }
0x8b: {  	s0 =	sand.u32 $0x1, s1  }
0x8c: {  	s16 =	sshll.u32 s0, $0xA;
	s2 =	sadd.s32 s3, s2  }
0x8d: {  	s2 =	sadd.s32 s2, s16  }
0x8e: {  	[smem:$0x3FC5] =	sst s2  }
0x8f: {  	_ = 	snop  }
0x90: {  	(tm) =	ssettm $0x1  }
0x91: {  	s17 =	sld [smem:$0x3FFB];
	_ =	sdelay $0x3  }
0x92: {  	_ =	strace s17  }
0x93: {  	s2 =	sld [smem:$0x3FFC];
	_ =	sdelay $0x3  }
0x94: {  	_ =	strace s2  }
0x95: {  	s2 =	sld [smem:$0x3FFD];
	_ =	sdelay $0x3  }
0x96: {  	_ =	strace s2  }
0x97: {  	_ =	strace $0x8FFFFFFF  }
0x98: {  	s18 =	sld [smem:$0x3FDB];
	_ =	sdelay $0x1  }
0x99: {  	s19 =	simm.s32 $_scs_section_size  }
0x9a: {  	s4 =	simm.s32 $_size__tile_overlayer_lowered;
	s5 =	simm.s32 $_tile_overlayer_lowered  }
0x9b: {  	s22 =	simm.s32 $0x1BFF;
	s21 =	sshll.u32 s5, $0x1;
	s2 =	sadd.s32 s19, s18  }
0x9c: {  	s6 =	simm.s32 $0x0;
	s20 =	sshll.u32 s4, $0x1;
	s4 =	sadd.s32 s21, s2  }
0x9d: {  	[timem:s6], [sflag:s22] =	dma.local [hbm:s4], s20  }
0x9e: {  	_ =	swait.ge [sflag:s22], s20  }
0x9f: {  	s3 =	ssub.s32 $0x0, s20;
	[sflag:s22] =	ssyncset.done $0x0  }
0xa0: {  	[sflag:s22] =	ssyncadd.s32 s3;
	_ =	sdelay $0x1  }
0xa1: {  	s23 =	simm.s32 $0x1B8B  }
0xa2: {  	_ =	swait.ge [sflag:s23], $0x1  }
0xa3: {  	[sflag:s23] =	ssyncset.done $0x0  }
0xa4: {  	s25 =	simm.s32 $0x1B8E;
	s24 =	sld [smem:$0x3FFE];
	[sflag:s23] =	ssyncadd.s32 $0xFFFFFFFF  }
0xa5: {  	s26 =	simm.s32 $execute0_lowered;
	[smem:$0x3FD2] =	sst s25  }
0xa6: {  	s4 =	sshll.u32 s26, $0x1;
	_ =	strace $0x80000046;
	[dreg:$0x1] =	wrdreg $0xFFFFFFFF  }
0xa7: {  	s28 =	simm.s32 $_size_execute0_lowered;
	s2 =	sadd.s32 s2, s4;
	[dreg:$0x0] =	wrdreg $0x0  }
0xa8: {  	s4 =	sshll.u32 s28, $0x1;
	[dreg:$0x2] =	wrdreg s2  }
0xa9: {  	[dreg:$0x3] =	wrdreg s4  }
0xaa: {  	[dreg:$0x4] =	wrdreg $0xC0  }
0xab: {  	_ =	task [dreg:s6], $0x5FFFF  }
0xac: {  	[dreg:$0x1] =	wrdreg $0xFFFFFFFF  }
0xad: {  	[dreg:$0x0] =	wrdreg $0x60  }
0xae: {  	[dreg:$0x2] =	wrdreg s24  }
0xaf: {  	[dreg:$0x3] =	wrdreg $0x9  }
0xb0: {  	_ =	task.clear_ibuf [dreg:s6], $0x4FFFF;
	_ =	strace $0x90000046  }
0xb1: {  	s29 =	simm.s32 $0x9;
	_ =	strace $0x80000048  }
0xb2: {  	_ =	swait.ge [sflag:s29], $0x1  }
0xb3: {  	[sflag:s29] =	ssyncadd.s32 $0xFFFFFFFF  }
0xb4: {  	_ =	strace $0x90000048  }
0xb5: {  	_ =	sfence  }
0xb6: {  	s30 =	sld [smem:$0x0];
	_ =	sdelay $0x2  }
0xb7: {  	s31 =	sshll.u32 s1, $0xD;
	s1 =	sshrl.u32 s1, $0x2  }
0xb8: {  	s3 =	sand.u32 $0x4000, s31;
	s1 =	sadd.s32 s1, s30  }
0xb9: {  	s0 =	sor.u32 s3, s0;
	s1 =	sshll.u32 s1, $0x11  }
0xba: {  	s0 =	sor.u32 s1, s0  }
0xbb: {  	s0 =	sadd.s32 $0x8F2B, s0  }
0xbc: {  	[sflag:s0] =	ssyncadd.remote.s32 $0x1  }
0xbd: {  	_ =	sfence.sel $0xFFFF  }
0xbe: {  	[dreg:$0x0] =	wrdreg $0xFFFFFFFF;
	(pc) =	sbr.abs _section_cstart, $3  }
0xbf: {  	[dreg:$0x1] =	wrdreg $0xFFFFFFFF  }
0xc0: {  	_ =	task.clear_ibuf [dreg:s6], $0x2FFFF;
	_ =	strace $0x9FFFFFFF  }
0xc1: {  	(tm) =	ssettm $0x7FFFFFFF  }
tec
execute0_lowered:
.L_overlay_start_1:
0x0: {  	(tag) =	ssettag $0x1  }
0x1: {  	s1 =	srdreg.scid;
	s0 =	stileid.u32  }
0x2: {  	s6 =	sand.u32 $0x1, s1;
	s31 =	sshll.u32 s0, $0x1  }
0x3: {  	s5 =	rddreg [dreg:$0x0];
	s2 =	simm.s32 $0x0;
	s3 =	sor.u32 s6, s31  }
0x4: {  	[smem:$0x7FF] =	sst s2;
	s3 =	smul.u32 $0x118, s3  }
0x5: {  	s7 =	simm.s32 $0x900;
	s1 =	rddreg [dreg:$0x1];
	_ =	strace $0x80000047  }
0x6: {  	s9 =	ssub.s32 $0x2, s6;
	s4 =	sadd.s32 s5, s3;
	s3 =	simm.s32 $0x2  }
0x7: {  	[tilespmem:s2], [sflag:$0x2] =	stream.linear.gather [hbm4b:s4+s2], $0x8C0, $0x38;
	[tilespmem:$0x1200] =	vst v63  }
0x8: {  	s8 =	simm.s32 $0x1;
	s10 =	sshrl.u32 s9, $0x1;
	_ =	swait.ge [sflag:s3], $0x8C0  }
0x9: {  	s6 =	simm.s32 $0x8C0;
	s10 =	ssub.s32 s9, s10;
	[sflag:s3] =	ssyncset.done $0x0  }
0xa: {  	s5 =	sadd.s32 $0x2400, s5;
	s10 =	smax.u32 s10, $0x1;
	[sflag:s3] =	ssyncadd.s32 $0xFFFFF740  }
0xb: {  	[tilespmem:s7], [sflag:$0x1] =	stream.indirect.gather [hbm4b:s5+s6], $0x1, s2, s6, $0xb8;
	[tilespmem:$0x1200] =	vst v63  }
0xc: {  	p0 =	sne.s32 s10, $0x1;
	_ =	swait.ge [sflag:s8], $0x8C0  }
.Ltmp0:
0xd: {  	[sflag:s8] =	ssyncset.done $0x0;
	(pc) =	sbr.rel @!p0 .LBB2_2-.Ltmp0, $4  }
0xe: {  	s9 =	sadd.s32 $0x4800, s4;
	[sflag:s8] =	ssyncadd.s32 $0xFFFFF740  }
0xf: {  	[hbm4b:s9+s2] =	stream.linear.scatter [tilespmem:s7], [sflag:$0x2], $0x8C0, $0x38;
	[tilespmem:$0x1200] =	vst v63  }
0x10: {  	_ =	swait.ge [sflag:s3], $0x8C0  }
0x11: {  	s10 =	sadd.s32 $0xFFFFFFFF, s10;
	[sflag:s3] =	ssyncset.done $0x0  }
.LBB2_1:
0x12: {  	p0 =	sne.s32 s10, $0x1;
	s10 =	sadd.s32 $0xFFFFFFFF, s10;
	[sflag:s3] =	ssyncadd.s32 $0xFFFFF740  }
0x13: {  	[tilespmem:s2], [sflag:$0x2] =	stream.linear.gather [hbm4b:s4+s2], $0x8C0, $0x38;
	[tilespmem:$0x1200] =	vst v63  }
0x14: {  	_ =	swait.ge [sflag:s3], $0x8C0  }
0x15: {  	[sflag:s3] =	ssyncset.done $0x0  }
0x16: {  	[sflag:s3] =	ssyncadd.s32 $0xFFFFF740  }
0x17: {  	[tilespmem:s7], [sflag:$0x1] =	stream.indirect.gather [hbm4b:s5+s6], $0x1, s2, s6, $0xb8;
	[tilespmem:$0x1200] =	vst v63  }
0x18: {  	_ =	swait.ge [sflag:s8], $0x8C0  }
.Ltmp1:
0x19: {  	[sflag:s8] =	ssyncset.done $0x0;
	(pc) =	sbr.rel @p0 .LBB2_1-.Ltmp1, $4  }
0x1a: {  	[sflag:s8] =	ssyncadd.s32 $0xFFFFF740  }
0x1b: {  	[hbm4b:s9+s2] =	stream.linear.scatter [tilespmem:s7], [sflag:$0x2], $0x8C0, $0x38;
	[tilespmem:$0x1200] =	vst v63  }
0x1c: {  	_ =	swait.ge [sflag:s3], $0x8C0  }
0x1d: {  	[sflag:s3] =	ssyncset.done $0x0  }
.LBB2_2:
0x1e: {  	[sflag:s3] =	ssyncadd.s32 $0xFFFFF740  }
0x1f: {  	_ =	sfence.sel $0x180000  }
0x20: {  	[bflag:$0x0] =	sbarrier.arrive $0xFFFF  }
0x21: {  	p0 =	sne.s32 s0, $0x0;
	_ =	strace $0x90000047  }
0x22: {  	s0 =	sadd.s32 @!p0 $0x100000, s1;
	[bflag:$0x2] =	sbarrier.arrive $0xFFFF  }
0x23: {  	[sflag:s0] =	ssyncadd.tile.s32 @!p0 $0x1;
	_ =	shalt  }
.Lfunc_end2:
_tile_overlayer_lowered:
.L_overlay_start_2:
0x24: {  	(tag) =	ssettag $0x2  }
0x25: {  	s0 =	rddreg [dreg:$0x0];
	s2 =	stileid.u32  }
0x26: {  	s1 =	rddreg [dreg:$0x1];
	p0 =	sne.s32 s2, $0x0  }
0x27: {  	s3 =	rddreg [dreg:$0x2];
	[bflag:$0x3] =	sbarrier.arrive $0xFFFF;
	s2 =	simm.s32 @!p0 $0x1C02  }
0x28: {  	[timem:s3], [sflag:s2] =	dma.local @!p0 [hbm:s0], s1  }
0x29: {  	s0 =	simm.s32 @!p0 $0x2  }
0x2a: {  	_ =	swait.ge @!p0 [sflag:s0], s1  }
0x2b: {  	s1 =	ssub.s32 @!p0 $0x0, s1;
	[sflag:s0] =	ssyncset.done @!p0 $0x0  }
0x2c: {  	[sflag:s0] =	ssyncadd.s32 @!p0 s1  }
0x2d: {  	[bflag:$0x3] =	sbarrier.arrive $0xFFFF  }
0x2e: {  	_ =	shalt  }

</sc_bundles>
